<compile_context>
chip_gen: v7x
topology: tpu7x:2x2x1
jax: 0.10.2.dev20260603
libtpu: 0.0.44.dev20260713+nightly
codegen_flags: <defaults>
</compile_context>

<pallas_src>
import functools

import jax
import jax.numpy as jnp
from jax import lax
from jax.experimental import pallas as pl
from jax.experimental.pallas import tpu as pltpu
from jax.experimental.pallas import tpu_sc as plsc

_L = 16
_NC = 2
_NS = 16
_NW = _NC * _NS
_C = 12800
_NBINS = 128
_NEDGES = 129
_EPAD = 144


def _sc_run(n_per_w, n_chunks):
    assert n_chunks % 2 == 0
    n_pairs = n_chunks // 2
    mesh = plsc.VectorSubcoreMesh(core_axis_name="c", subcore_axis_name="s")
    n_total = n_per_w * _NW

    @functools.partial(
        pl.kernel,
        mesh=mesh,
        compiler_params=pltpu.CompilerParams(
            needs_layout_passes=False, use_tc_tiling_on_sc=False),
        out_type=(
            jax.ShapeDtypeStruct((n_total,), jnp.int32),
            jax.ShapeDtypeStruct((n_total,), jnp.float32),
            jax.ShapeDtypeStruct((_NW, _NBINS), jnp.int32),
        ),
        scratch_types=[
            pltpu.VMEM((_C,), jnp.float32),
            pltpu.VMEM((_C,), jnp.float32),
            pltpu.VMEM((_C,), jnp.int32),
            pltpu.VMEM((_C,), jnp.int32),
            pltpu.VMEM((_C,), jnp.float32),
            pltpu.VMEM((_C,), jnp.float32),
            pltpu.VMEM((_EPAD,), jnp.float32),
            pltpu.VMEM((_NBINS,), jnp.float32),
            pltpu.VMEM((32,), jnp.float32),
            pltpu.VMEM((_L * _NBINS,), jnp.int32),
            pltpu.VMEM((_NBINS,), jnp.int32),
            pltpu.SemaphoreType.DMA,
            pltpu.SemaphoreType.DMA,
            pltpu.SemaphoreType.DMA,
            pltpu.SemaphoreType.DMA,
            pltpu.SemaphoreType.DMA,
            pltpu.SemaphoreType.DMA,
        ],
    )
    def run(x_hbm, edges_hbm, mids_hbm, par_hbm,
            q_hbm, dq_hbm, hist_hbm,
            xin0, xin1, qout0, qout1, dqout0, dqout1,
            edges, mids, par, histl, hacc,
            isem0, isem1, qsem0, qsem1, dsem0, dsem1):
        wid = lax.axis_index("s") * _NC + lax.axis_index("c")
        base = wid * n_per_w

        pltpu.sync_copy(edges_hbm, edges)
        pltpu.sync_copy(mids_hbm, mids)
        pltpu.sync_copy(par_hbm, par)

        inv = par[pl.ds(0, _L)]
        c0 = par[pl.ds(_L, _L)]
        lane_off = lax.iota(jnp.int32, _L) * _NBINS
        ones = jnp.ones((_L,), jnp.int32)
        zeros_i = jnp.zeros((_L,), jnp.int32)

        def zero_body(i, _):
            histl[pl.ds(pl.multiple_of(i * _L, _L), _L)] = zeros_i
            return 0
        lax.fori_loop(0, (_L * _NBINS) // _L, zero_body, 0)

        def make_passes(xin, qout, dqout):
            def _quant(i):
                off = pl.multiple_of(i * _L, _L)
                xv = xin[pl.ds(off, _L)]
                xm = jnp.where(xv != 5.0, xv, 0.0)
                t = xm * inv + c0
                k0 = t.astype(jnp.int32)
                k0 = jnp.minimum(jnp.maximum(k0, 0), _NEDGES - 1)
                bk = plsc.load_gather(edges, [k0])
                q = jnp.where(xm <= bk, k0 - 1, k0)
                q = jnp.minimum(jnp.maximum(q, 0), _NBINS - 1)
                dq = plsc.load_gather(mids, [q])
                qout[pl.ds(off, _L)] = q
                dqout[pl.ds(off, _L)] = dq

            def _hist(i, _):
                off = pl.multiple_of(i * _L, _L)
                qv = qout[pl.ds(off, _L)]
                plsc.addupdate_scatter(histl, [lane_off + qv], ones)
                return 0
            return _quant, _hist

        quant0, hist0 = make_passes(xin0, qout0, dqout0)
        quant1, hist1 = make_passes(xin1, qout1, dqout1)

        def run_main(quant, hist):
            plsc.parallel_loop(0, _C // _L, unroll=4)(quant)
            lax.fori_loop(0, _C // _L, hist, 0, unroll=8)

        def wait_in0():
            pltpu.make_async_copy(x_hbm.at[pl.ds(base, _C)], xin0, isem0).wait()

        def wait_in1():
            pltpu.make_async_copy(x_hbm.at[pl.ds(base, _C)], xin1, isem1).wait()

        def wait_out0():
            pltpu.make_async_copy(qout0, q_hbm.at[pl.ds(base, _C)], qsem0).wait()
            pltpu.make_async_copy(dqout0, dq_hbm.at[pl.ds(base, _C)], dsem0).wait()

        def wait_out1():
            pltpu.make_async_copy(qout1, q_hbm.at[pl.ds(base, _C)], qsem1).wait()
            pltpu.make_async_copy(dqout1, dq_hbm.at[pl.ds(base, _C)], dsem1).wait()

        pltpu.async_copy(x_hbm.at[pl.ds(base, _C)], xin0, isem0)

        def pair_body(p, _):
            cb0 = base + (2 * p) * _C
            cb1 = cb0 + _C
            pltpu.async_copy(x_hbm.at[pl.ds(cb1, _C)], xin1, isem1)
            wait_in0()

            @pl.when(p >= 1)
            def _():
                wait_out0()
            run_main(quant0, hist0)
            pltpu.async_copy(qout0, q_hbm.at[pl.ds(cb0, _C)], qsem0)
            pltpu.async_copy(dqout0, dq_hbm.at[pl.ds(cb0, _C)], dsem0)

            @pl.when(p + 1 < n_pairs)
            def _():
                pltpu.async_copy(
                    x_hbm.at[pl.ds(cb0 + 2 * _C, _C)], xin0, isem0)
            wait_in1()

            @pl.when(p >= 1)
            def _():
                wait_out1()
            run_main(quant1, hist1)
            pltpu.async_copy(qout1, q_hbm.at[pl.ds(cb1, _C)], qsem1)
            pltpu.async_copy(dqout1, dq_hbm.at[pl.ds(cb1, _C)], dsem1)
            return 0
        lax.fori_loop(0, n_pairs, pair_body, 0)

        wait_out0()
        wait_out1()

        for j in range(_NBINS // _L):
            acc = histl[pl.ds(j * _L, _L)]
            for lane in range(1, _L):
                acc = acc + histl[pl.ds(lane * _NBINS + j * _L, _L)]
            hacc[pl.ds(j * _L, _L)] = acc
        pltpu.sync_copy(hacc, hist_hbm.at[wid])

    return run


def kernel(x, zscore_quantize_buckets):
    b = zscore_quantize_buckets
    xf = x.reshape(-1)
    n = xf.shape[0]
    assert n % (_NW * _C) == 0
    n_per_w = n // _NW
    n_chunks = n_per_w // _C

    edges = jnp.pad(b, (0, _EPAD - _NEDGES))
    mids = (b[:-1] + b[1:]) * 0.5
    inv = jnp.float32(_NBINS) / (b[_NEDGES - 1] - b[0])
    c0 = -b[0] * inv + jnp.float32(5e-4)
    par = jnp.concatenate([jnp.full((_L,), inv, jnp.float32),
                           jnp.full((_L,), c0, jnp.float32)])

    qf, dqf, hpart = _sc_run(n_per_w, n_chunks)(xf, edges, mids, par)
    return (qf.reshape(x.shape), dqf.reshape(x.shape), hpart.sum(axis=0))

# --- scband reference (transcript-rebuilt; emitter-appended) ---
"""Pipeline reference for scband-quantize-behavior-24919400251983 (READ-ONLY COPY).

The authoritative reference and input builder live on the scoring server;
editing this copy changes nothing except your own understanding.
"""

import jax, jax.numpy as jnp
import numpy as np

QUANTIZE_CLASSES = 128
PAD_VALUE = 5.0  # data_attrs.pad_token
QUANTIZE_BOUND = 1.001  # decode_symlog=False path


def setup_inputs(seed: int = 0) -> dict:
    key = jax.random.key(seed)
    # behavior covariates are z-scored to within the quantize bound; sample uniform in (-1, 1)
    x = jax.random.uniform(key, (4096, 200, 16), dtype=jnp.float32, minval=-1.0, maxval=1.0)
    # register_buffer('zscore_quantize_buckets', linspace(-bound, bound, 129))
    zscore_quantize_buckets = jnp.linspace(-QUANTIZE_BOUND, QUANTIZE_BOUND, QUANTIZE_CLASSES + 1, dtype=jnp.float32)
    return {"x": x, "zscore_quantize_buckets": zscore_quantize_buckets}


def reference(x, zscore_quantize_buckets):
    # QuantizeBehavior.quantize (decode_symlog=False):
    #   x = where(x != pad_value, x, 0); torch.bucketize(x, buckets) - 1
    # torch.bucketize(right=False) == jnp.searchsorted(side='left')
    xm = jnp.where(x != PAD_VALUE, x, 0.0)
    quantized = jnp.searchsorted(zscore_quantize_buckets, xm, side='left') - 1
    # QuantizeBehavior.dequantize: midpoint of the bucket edges
    deq = (zscore_quantize_buckets[quantized] + zscore_quantize_buckets[quantized + 1]) / 2
    # per-bin occupancy histogram of the quantized classes
    hist = jnp.bincount(quantized.ravel().astype(jnp.int32), length=QUANTIZE_CLASSES)
    return (quantized, deq, hist)

if __name__ == "__main__":
    import jax
    _d = setup_inputs()
    print(jax.jit(kernel)(*tuple(_d.values())))

</pallas_src>

<mosaic_0001>
#map = affine_map<(d0, d1) -> (0)>
#map1 = affine_map<(d0, d1) -> (0, 0)>
module attributes {stable_mosaic.version = 14 : i64} {
  func.func @run(%arg0: i32, %arg1: i32, %arg2: memref<13107200xf32, #tpu.memory_space<hbm>>, %arg3: memref<144xf32, #tpu.memory_space<hbm>>, %arg4: memref<128xf32, #tpu.memory_space<hbm>>, %arg5: memref<32xf32, #tpu.memory_space<hbm>>, %arg6: memref<13107200xi32, #tpu.memory_space<hbm>>, %arg7: memref<13107200xf32, #tpu.memory_space<hbm>>, %arg8: memref<32x128xi32, #tpu.memory_space<hbm>>, %arg9: memref<12800xf32, #tpu.memory_space<vmem>>, %arg10: memref<12800xf32, #tpu.memory_space<vmem>>, %arg11: memref<12800xi32, #tpu.memory_space<vmem>>, %arg12: memref<12800xi32, #tpu.memory_space<vmem>>, %arg13: memref<12800xf32, #tpu.memory_space<vmem>>, %arg14: memref<12800xf32, #tpu.memory_space<vmem>>, %arg15: memref<144xf32, #tpu.memory_space<vmem>>, %arg16: memref<128xf32, #tpu.memory_space<vmem>>, %arg17: memref<32xf32, #tpu.memory_space<vmem>>, %arg18: memref<2048xi32, #tpu.memory_space<vmem>>, %arg19: memref<128xi32, #tpu.memory_space<vmem>>, %arg20: memref<!tpu.dma_semaphore, #tpu.memory_space<semaphore_mem>>, %arg21: memref<!tpu.dma_semaphore, #tpu.memory_space<semaphore_mem>>, %arg22: memref<!tpu.dma_semaphore, #tpu.memory_space<semaphore_mem>>, %arg23: memref<!tpu.dma_semaphore, #tpu.memory_space<semaphore_mem>>, %arg24: memref<!tpu.dma_semaphore, #tpu.memory_space<semaphore_mem>>, %arg25: memref<!tpu.dma_semaphore, #tpu.memory_space<semaphore_mem>>) attributes {dimension_semantics = [#tpu.dimension_semantics<core_parallel>, #tpu.dimension_semantics<subcore_parallel>], iteration_bounds = array<i64: 2, 16>, scalar_prefetch = 0 : i64, scratch_operands = 17 : i64, tpu.core_type = #tpu.core_type<sc_vector_subcore>, window_params = [{transform_indices = #map}, {transform_indices = #map}, {transform_indices = #map}, {transform_indices = #map}, {transform_indices = #map}, {transform_indices = #map}, {transform_indices = #map1}]} {
    %mul3A = arith.constant 2 : i32
    %mul3A_0 = arith.muli %arg1, %mul3A : i32
    %add3A = arith.addi %mul3A_0, %arg0 : i32
    %mul3A_1 = arith.constant 409600 : i32
    %mul3A_2 = arith.muli %add3A, %mul3A_1 : i32
    "tpu.region"() ({
      %run_scoped3A = tpu.sem_alloc : memref<!tpu.dma_semaphore, #tpu.memory_space<semaphore_mem>>
      tpu.enqueue_dma source(%arg3 : memref<144xf32, #tpu.memory_space<hbm>>) target(%arg15 : memref<144xf32, #tpu.memory_space<vmem>>) target_semaphore(%run_scoped3A : memref<!tpu.dma_semaphore, #tpu.memory_space<semaphore_mem>>)
      tpu.wait_dma2 semaphore(%run_scoped3A : memref<!tpu.dma_semaphore, #tpu.memory_space<semaphore_mem>>) src(%arg3 : memref<144xf32, #tpu.memory_space<hbm>>) dst(%arg15 : memref<144xf32, #tpu.memory_space<vmem>>)
      tpu.yield
    }) : () -> ()
    "tpu.region"() ({
      %run_scoped3A = tpu.sem_alloc : memref<!tpu.dma_semaphore, #tpu.memory_space<semaphore_mem>>
      tpu.enqueue_dma source(%arg4 : memref<128xf32, #tpu.memory_space<hbm>>) target(%arg16 : memref<128xf32, #tpu.memory_space<vmem>>) target_semaphore(%run_scoped3A : memref<!tpu.dma_semaphore, #tpu.memory_space<semaphore_mem>>)
      tpu.wait_dma2 semaphore(%run_scoped3A : memref<!tpu.dma_semaphore, #tpu.memory_space<semaphore_mem>>) src(%arg4 : memref<128xf32, #tpu.memory_space<hbm>>) dst(%arg16 : memref<128xf32, #tpu.memory_space<vmem>>)
      tpu.yield
    }) : () -> ()
    "tpu.region"() ({
      %run_scoped3A = tpu.sem_alloc : memref<!tpu.dma_semaphore, #tpu.memory_space<semaphore_mem>>
      tpu.enqueue_dma source(%arg5 : memref<32xf32, #tpu.memory_space<hbm>>) target(%arg17 : memref<32xf32, #tpu.memory_space<vmem>>) target_semaphore(%run_scoped3A : memref<!tpu.dma_semaphore, #tpu.memory_space<semaphore_mem>>)
      tpu.wait_dma2 semaphore(%run_scoped3A : memref<!tpu.dma_semaphore, #tpu.memory_space<semaphore_mem>>) src(%arg5 : memref<32xf32, #tpu.memory_space<hbm>>) dst(%arg17 : memref<32xf32, #tpu.memory_space<vmem>>)
      tpu.yield
    }) : () -> ()
    %get3A = arith.constant 0 : index
    %get3A_3 = tpu.vector_load %arg17[%get3A] {strides = array<i32>} : memref<32xf32, #tpu.memory_space<vmem>>, vector<16xf32>,
    %get3A_4 = arith.constant 16 : index
    %get3A_5 = tpu.vector_load %arg17[%get3A_4] {strides = array<i32>} : memref<32xf32, #tpu.memory_space<vmem>>, vector<16xf32>,
    %iota3A = tpu.iota {dimensions = array<i32: 0>} : vector<16xi32>
    %mul3A_6 = arith.constant 128 : i32
    %mul3A_7 = vector.broadcast %mul3A_6 : i32 to vector<16xi32>
    %mul3A_8 = arith.muli %iota3A, %mul3A_7 : vector<16xi32>
    %broadcast_in_dim3A = arith.constant 1 : i32
    %broadcast_in_dim3A_9 = vector.broadcast %broadcast_in_dim3A : i32 to vector<16xi32>
    %broadcast_in_dim3A_10 = arith.constant 0 : i32
    %broadcast_in_dim3A_11 = vector.broadcast %broadcast_in_dim3A_10 : i32 to vector<16xi32>
    %scan3A = arith.constant 0 : i32
    %scan3A_12 = arith.constant 0 : i32
    %scan3A_13 = arith.constant 128 : i32
    %scan3A_14 = arith.addi %scan3A_12, %scan3A_13 : i32
    %scan3A_15 = arith.constant 1 : i32
    %scan3A_16 = scf.for %scan3A_424 = %scan3A_12 to %scan3A_14 step %scan3A_15 iter_args(%scan3A_425 = %scan3A) -> (i32)  : i32 {
      %mul3A_426 = arith.constant 16 : i32
      %mul3A_427 = arith.muli %scan3A_424, %mul3A_426 : i32
      %multiple_of3A = tpu.assume_multiple %mul3A_427, 16 : i32
      %swap3A_428 = arith.index_cast %multiple_of3A : i32 to index
      %swap3A_429 = tpu.vector_load %arg18[%swap3A_428] {strides = array<i32>} : memref<2048xi32, #tpu.memory_space<vmem>>, vector<16xi32>,
      tpu.vector_store %arg18[%swap3A_428], %broadcast_in_dim3A_11 {strides = array<i32>} : memref<2048xi32, #tpu.memory_space<vmem>>, vector<16xi32>,
      %scan3A_430 = arith.constant 0 : i32
      scf.yield %scan3A_430 : i32
    }
    %scan3A_17 = arith.constant 128 : i32
    %dma_start3A = tpu.memref_slice %arg2[%mul3A_2] : memref<13107200xf32, #tpu.memory_space<hbm>> -> memref<12800xf32, #tpu.memory_space<hbm>>
    %dma_start3A_18 = tpu.memref_slice %arg2[%mul3A_2] : memref<13107200xf32, #tpu.memory_space<hbm>> -> memref<12800xf32, #tpu.memory_space<hbm>>
    tpu.enqueue_dma source(%dma_start3A_18 : memref<12800xf32, #tpu.memory_space<hbm>>) target(%arg9 : memref<12800xf32, #tpu.memory_space<vmem>>) target_semaphore(%arg20 : memref<!tpu.dma_semaphore, #tpu.memory_space<semaphore_mem>>)
    %scan3A_19 = arith.constant 0 : i32
    %scan3A_20 = arith.constant 0 : i32
    %scan3A_21 = arith.constant 16 : i32
    %scan3A_22 = arith.addi %scan3A_20, %scan3A_21 : i32
    %scan3A_23 = arith.constant 1 : i32
    %scan3A_24 = scf.for %scan3A_424 = %scan3A_20 to %scan3A_22 step %scan3A_23 iter_args(%scan3A_425 = %scan3A_19) -> (i32)  : i32 {
      %mul3A_426 = arith.constant 2 : i32
      %mul3A_427 = arith.muli %mul3A_426, %scan3A_424 : i32
      %mul3A_428 = arith.constant 12800 : i32
      %mul3A_429 = arith.muli %mul3A_427, %mul3A_428 : i32
      %add3A_430 = arith.addi %mul3A_2, %mul3A_429 : i32
      %add3A_431 = arith.constant 12800 : i32
      %add3A_432 = arith.addi %add3A_430, %add3A_431 : i32
      %dma_start3A_433 = tpu.memref_slice %arg2[%add3A_432] : memref<13107200xf32, #tpu.memory_space<hbm>> -> memref<12800xf32, #tpu.memory_space<hbm>>
      %dma_start3A_434 = tpu.memref_slice %arg2[%add3A_432] : memref<13107200xf32, #tpu.memory_space<hbm>> -> memref<12800xf32, #tpu.memory_space<hbm>>
      tpu.enqueue_dma source(%dma_start3A_434 : memref<12800xf32, #tpu.memory_space<hbm>>) target(%arg10 : memref<12800xf32, #tpu.memory_space<vmem>>) target_semaphore(%arg21 : memref<!tpu.dma_semaphore, #tpu.memory_space<semaphore_mem>>)
      %dma_wait3A_435 = tpu.memref_slice %arg2[%mul3A_2] : memref<13107200xf32, #tpu.memory_space<hbm>> -> memref<12800xf32, #tpu.memory_space<hbm>>
      %dma_wait3A_436 = tpu.memref_slice %arg2[%mul3A_2] : memref<13107200xf32, #tpu.memory_space<hbm>> -> memref<12800xf32, #tpu.memory_space<hbm>>
      tpu.wait_dma2 semaphore(%arg20 : memref<!tpu.dma_semaphore, #tpu.memory_space<semaphore_mem>>) src(%dma_wait3A_436 : memref<12800xf32, #tpu.memory_space<hbm>>) dst(%arg9 : memref<12800xf32, #tpu.memory_space<vmem>>)
      %ge3A = arith.constant 1 : i32
      %ge3A_437 = arith.cmpi sge, %scan3A_424, %ge3A : i32
      %convert_element_type3A = arith.extui %ge3A_437 : i1 to i32
      %cond3A = arith.constant 0 : i32
      %cond3A_438 = arith.cmpi ne, %convert_element_type3A, %cond3A : i32
      scf.if %cond3A_438 {
        %dma_wait3A_480 = tpu.memref_slice %arg6[%mul3A_2] : memref<13107200xi32, #tpu.memory_space<hbm>> -> memref<12800xi32, #tpu.memory_space<hbm>>
        %dma_wait3A_481 = tpu.memref_slice %arg6[%mul3A_2] : memref<13107200xi32, #tpu.memory_space<hbm>> -> memref<12800xi32, #tpu.memory_space<hbm>>
        tpu.wait_dma2 semaphore(%arg22 : memref<!tpu.dma_semaphore, #tpu.memory_space<semaphore_mem>>) src(%arg11 : memref<12800xi32, #tpu.memory_space<vmem>>) dst(%dma_wait3A_481 : memref<12800xi32, #tpu.memory_space<hbm>>)
        %dma_wait3A_482 = tpu.memref_slice %arg7[%mul3A_2] : memref<13107200xf32, #tpu.memory_space<hbm>> -> memref<12800xf32, #tpu.memory_space<hbm>>
        %dma_wait3A_483 = tpu.memref_slice %arg7[%mul3A_2] : memref<13107200xf32, #tpu.memory_space<hbm>> -> memref<12800xf32, #tpu.memory_space<hbm>>
        tpu.wait_dma2 semaphore(%arg24 : memref<!tpu.dma_semaphore, #tpu.memory_space<semaphore_mem>>) src(%arg13 : memref<12800xf32, #tpu.memory_space<vmem>>) dst(%dma_wait3A_483 : memref<12800xf32, #tpu.memory_space<hbm>>)
      } else {
      }
      %parallel_loop3A = arith.constant 0 : i32
      %parallel_loop3A_439 = arith.constant 800 : i32
      %parallel_loop3A_440 = arith.constant 1 : i32
      scf.for %parallel_loop3A_480 = %parallel_loop3A to %parallel_loop3A_439 step %parallel_loop3A_440  : i32 {
        %parallel_loop3A_481 = arith.constant 16 : i32
        %parallel_loop3A_482 = arith.muli %parallel_loop3A_480, %parallel_loop3A_481 : i32
        %parallel_loop3A_483 = tpu.assume_multiple %parallel_loop3A_482, 16 : i32
        %parallel_loop3A_484 = arith.index_cast %parallel_loop3A_483 : i32 to index
        %parallel_loop3A_485 = tpu.vector_load %arg9[%parallel_loop3A_484] {strides = array<i32>} : memref<12800xf32, #tpu.memory_space<vmem>>, vector<16xf32>,
        %parallel_loop3A_486 = arith.constant 5.000000e+00 : f32
        %parallel_loop3A_487 = vector.broadcast %parallel_loop3A_486 : f32 to vector<16xf32>
        %parallel_loop3A_488 = arith.cmpf one, %parallel_loop3A_485, %parallel_loop3A_487 : vector<16xf32>
        %parallel_loop3A_489 = arith.constant 0.000000e+00 : f32
        %parallel_loop3A_490 = vector.broadcast %parallel_loop3A_489 : f32 to vector<16xf32>
        %parallel_loop3A_491 = arith.select %parallel_loop3A_488, %parallel_loop3A_485, %parallel_loop3A_490 : vector<16xi1>, vector<16xf32>
        %parallel_loop3A_492 = arith.mulf %parallel_loop3A_491, %get3A_3 : vector<16xf32>
        %parallel_loop3A_493 = arith.addf %parallel_loop3A_492, %get3A_5 : vector<16xf32>
        %parallel_loop3A_494 = arith.fptosi %parallel_loop3A_493 : vector<16xf32> to vector<16xi32>
        %parallel_loop3A_495 = arith.constant 0 : i32
        %parallel_loop3A_496 = vector.broadcast %parallel_loop3A_495 : i32 to vector<16xi32>
        %parallel_loop3A_497 = arith.maxsi %parallel_loop3A_494, %parallel_loop3A_496 : vector<16xi32>
        %parallel_loop3A_498 = arith.constant 128 : i32
        %parallel_loop3A_499 = vector.broadcast %parallel_loop3A_498 : i32 to vector<16xi32>
        %parallel_loop3A_500 = arith.minsi %parallel_loop3A_497, %parallel_loop3A_499 : vector<16xi32>
        %parallel_loop3A_501 = tpu.vector_load_idx %arg15[%parallel_loop3A_500] : memref<144xf32, #tpu.memory_space<vmem>>[vector<16xi32>], vector<16xf32>,
        %parallel_loop3A_502 = arith.cmpf ole, %parallel_loop3A_491, %parallel_loop3A_501 : vector<16xf32>
        %parallel_loop3A_503 = arith.constant 1 : i32
        %parallel_loop3A_504 = vector.broadcast %parallel_loop3A_503 : i32 to vector<16xi32>
        %parallel_loop3A_505 = arith.subi %parallel_loop3A_500, %parallel_loop3A_504 : vector<16xi32>
        %parallel_loop3A_506 = arith.select %parallel_loop3A_502, %parallel_loop3A_505, %parallel_loop3A_500 : vector<16xi1>, vector<16xi32>
        %parallel_loop3A_507 = arith.constant 0 : i32
        %parallel_loop3A_508 = vector.broadcast %parallel_loop3A_507 : i32 to vector<16xi32>
        %parallel_loop3A_509 = arith.maxsi %parallel_loop3A_506, %parallel_loop3A_508 : vector<16xi32>
        %parallel_loop3A_510 = arith.constant 127 : i32
        %parallel_loop3A_511 = vector.broadcast %parallel_loop3A_510 : i32 to vector<16xi32>
        %parallel_loop3A_512 = arith.minsi %parallel_loop3A_509, %parallel_loop3A_511 : vector<16xi32>
        %parallel_loop3A_513 = tpu.vector_load_idx %arg16[%parallel_loop3A_512] : memref<128xf32, #tpu.memory_space<vmem>>[vector<16xi32>], vector<16xf32>,
        %parallel_loop3A_514 = arith.index_cast %parallel_loop3A_483 : i32 to index
        %parallel_loop3A_515 = tpu.vector_load %arg11[%parallel_loop3A_514] {strides = array<i32>} : memref<12800xi32, #tpu.memory_space<vmem>>, vector<16xi32>,
        tpu.vector_store %arg11[%parallel_loop3A_514], %parallel_loop3A_512 {strides = array<i32>} : memref<12800xi32, #tpu.memory_space<vmem>>, vector<16xi32>,
        %parallel_loop3A_516 = arith.index_cast %parallel_loop3A_483 : i32 to index
        %parallel_loop3A_517 = tpu.vector_load %arg13[%parallel_loop3A_516] {strides = array<i32>} : memref<12800xf32, #tpu.memory_space<vmem>>, vector<16xf32>,
        tpu.vector_store %arg13[%parallel_loop3A_516], %parallel_loop3A_513 {strides = array<i32>} : memref<12800xf32, #tpu.memory_space<vmem>>, vector<16xf32>,
      } {sc.loop_unroll_factor = 4 : i64, sc.parallel_access}
      %scan3A_441 = arith.constant 0 : i32
      %scan3A_442 = arith.constant 0 : i32
      %scan3A_443 = arith.constant 800 : i32
      %scan3A_444 = arith.addi %scan3A_442, %scan3A_443 : i32
      %scan3A_445 = arith.constant 8 : i32
      %scan3A_446 = scf.for %scan3A_480 = %scan3A_442 to %scan3A_444 step %scan3A_445 iter_args(%scan3A_481 = %scan3A_441) -> (i32)  : i32 {
        %mul3A_482 = arith.constant 16 : i32
        %mul3A_483 = arith.muli %scan3A_480, %mul3A_482 : i32
        %multiple_of3A = tpu.assume_multiple %mul3A_483, 16 : i32
        %get3A_484 = arith.index_cast %multiple_of3A : i32 to index
        %get3A_485 = tpu.vector_load %arg11[%get3A_484] {strides = array<i32>} : memref<12800xi32, #tpu.memory_space<vmem>>, vector<16xi32>,
        %add3A_486 = arith.addi %mul3A_8, %get3A_485 : vector<16xi32>
        tpu.vector_store_idx %arg18[%add3A_486], %broadcast_in_dim3A_9 {add = true} : memref<2048xi32, #tpu.memory_space<vmem>>[vector<16xi32>], vector<16xi32>,
        %scan3A_487 = arith.constant 0 : i32
        %scan3A_488 = arith.constant 1 : i32
        %scan3A_489 = arith.addi %scan3A_480, %scan3A_488 : i32
        %mul3A_490 = arith.constant 16 : i32
        %mul3A_491 = arith.muli %scan3A_489, %mul3A_490 : i32
        %multiple_of3A_492 = tpu.assume_multiple %mul3A_491, 16 : i32
        %get3A_493 = arith.index_cast %multiple_of3A_492 : i32 to index
        %get3A_494 = tpu.vector_load %arg11[%get3A_493] {strides = array<i32>} : memref<12800xi32, #tpu.memory_space<vmem>>, vector<16xi32>,
        %add3A_495 = arith.addi %mul3A_8, %get3A_494 : vector<16xi32>
        tpu.vector_store_idx %arg18[%add3A_495], %broadcast_in_dim3A_9 {add = true} : memref<2048xi32, #tpu.memory_space<vmem>>[vector<16xi32>], vector<16xi32>,
        %scan3A_496 = arith.constant 0 : i32
        %scan3A_497 = arith.constant 2 : i32
        %scan3A_498 = arith.addi %scan3A_480, %scan3A_497 : i32
        %mul3A_499 = arith.constant 16 : i32
        %mul3A_500 = arith.muli %scan3A_498, %mul3A_499 : i32
        %multiple_of3A_501 = tpu.assume_multiple %mul3A_500, 16 : i32
        %get3A_502 = arith.index_cast %multiple_of3A_501 : i32 to index
        %get3A_503 = tpu.vector_load %arg11[%get3A_502] {strides = array<i32>} : memref<12800xi32, #tpu.memory_space<vmem>>, vector<16xi32>,
        %add3A_504 = arith.addi %mul3A_8, %get3A_503 : vector<16xi32>
        tpu.vector_store_idx %arg18[%add3A_504], %broadcast_in_dim3A_9 {add = true} : memref<2048xi32, #tpu.memory_space<vmem>>[vector<16xi32>], vector<16xi32>,
        %scan3A_505 = arith.constant 0 : i32
        %scan3A_506 = arith.constant 3 : i32
        %scan3A_507 = arith.addi %scan3A_480, %scan3A_506 : i32
        %mul3A_508 = arith.constant 16 : i32
        %mul3A_509 = arith.muli %scan3A_507, %mul3A_508 : i32
        %multiple_of3A_510 = tpu.assume_multiple %mul3A_509, 16 : i32
        %get3A_511 = arith.index_cast %multiple_of3A_510 : i32 to index
        %get3A_512 = tpu.vector_load %arg11[%get3A_511] {strides = array<i32>} : memref<12800xi32, #tpu.memory_space<vmem>>, vector<16xi32>,
        %add3A_513 = arith.addi %mul3A_8, %get3A_512 : vector<16xi32>
        tpu.vector_store_idx %arg18[%add3A_513], %broadcast_in_dim3A_9 {add = true} : memref<2048xi32, #tpu.memory_space<vmem>>[vector<16xi32>], vector<16xi32>,
        %scan3A_514 = arith.constant 0 : i32
        %scan3A_515 = arith.constant 4 : i32
        %scan3A_516 = arith.addi %scan3A_480, %scan3A_515 : i32
        %mul3A_517 = arith.constant 16 : i32
        %mul3A_518 = arith.muli %scan3A_516, %mul3A_517 : i32
        %multiple_of3A_519 = tpu.assume_multiple %mul3A_518, 16 : i32
        %get3A_520 = arith.index_cast %multiple_of3A_519 : i32 to index
        %get3A_521 = tpu.vector_load %arg11[%get3A_520] {strides = array<i32>} : memref<12800xi32, #tpu.memory_space<vmem>>, vector<16xi32>,
        %add3A_522 = arith.addi %mul3A_8, %get3A_521 : vector<16xi32>
        tpu.vector_store_idx %arg18[%add3A_522], %broadcast_in_dim3A_9 {add = true} : memref<2048xi32, #tpu.memory_space<vmem>>[vector<16xi32>], vector<16xi32>,
        %scan3A_523 = arith.constant 0 : i32
        %scan3A_524 = arith.constant 5 : i32
        %scan3A_525 = arith.addi %scan3A_480, %scan3A_524 : i32
        %mul3A_526 = arith.constant 16 : i32
        %mul3A_527 = arith.muli %scan3A_525, %mul3A_526 : i32
        %multiple_of3A_528 = tpu.assume_multiple %mul3A_527, 16 : i32
        %get3A_529 = arith.index_cast %multiple_of3A_528 : i32 to index
        %get3A_530 = tpu.vector_load %arg11[%get3A_529] {strides = array<i32>} : memref<12800xi32, #tpu.memory_space<vmem>>, vector<16xi32>,
        %add3A_531 = arith.addi %mul3A_8, %get3A_530 : vector<16xi32>
        tpu.vector_store_idx %arg18[%add3A_531], %broadcast_in_dim3A_9 {add = true} : memref<2048xi32, #tpu.memory_space<vmem>>[vector<16xi32>], vector<16xi32>,
        %scan3A_532 = arith.constant 0 : i32
        %scan3A_533 = arith.constant 6 : i32
        %scan3A_534 = arith.addi %scan3A_480, %scan3A_533 : i32
        %mul3A_535 = arith.constant 16 : i32
        %mul3A_536 = arith.muli %scan3A_534, %mul3A_535 : i32
        %multiple_of3A_537 = tpu.assume_multiple %mul3A_536, 16 : i32
        %get3A_538 = arith.index_cast %multiple_of3A_537 : i32 to index
        %get3A_539 = tpu.vector_load %arg11[%get3A_538] {strides = array<i32>} : memref<12800xi32, #tpu.memory_space<vmem>>, vector<16xi32>,
        %add3A_540 = arith.addi %mul3A_8, %get3A_539 : vector<16xi32>
        tpu.vector_store_idx %arg18[%add3A_540], %broadcast_in_dim3A_9 {add = true} : memref<2048xi32, #tpu.memory_space<vmem>>[vector<16xi32>], vector<16xi32>,
        %scan3A_541 = arith.constant 0 : i32
        %scan3A_542 = arith.constant 7 : i32
        %scan3A_543 = arith.addi %scan3A_480, %scan3A_542 : i32
        %mul3A_544 = arith.constant 16 : i32
        %mul3A_545 = arith.muli %scan3A_543, %mul3A_544 : i32
        %multiple_of3A_546 = tpu.assume_multiple %mul3A_545, 16 : i32
        %get3A_547 = arith.index_cast %multiple_of3A_546 : i32 to index
        %get3A_548 = tpu.vector_load %arg11[%get3A_547] {strides = array<i32>} : memref<12800xi32, #tpu.memory_space<vmem>>, vector<16xi32>,
        %add3A_549 = arith.addi %mul3A_8, %get3A_548 : vector<16xi32>
        tpu.vector_store_idx %arg18[%add3A_549], %broadcast_in_dim3A_9 {add = true} : memref<2048xi32, #tpu.memory_space<vmem>>[vector<16xi32>], vector<16xi32>,
        %scan3A_550 = arith.constant 0 : i32
        scf.yield %scan3A_550 : i32
      }
      %scan3A_447 = arith.constant 800 : i32
      %dma_start3A_448 = tpu.memref_slice %arg6[%add3A_430] : memref<13107200xi32, #tpu.memory_space<hbm>> -> memref<12800xi32, #tpu.memory_space<hbm>>
      %dma_start3A_449 = tpu.memref_slice %arg6[%add3A_430] : memref<13107200xi32, #tpu.memory_space<hbm>> -> memref<12800xi32, #tpu.memory_space<hbm>>
      tpu.enqueue_dma source(%arg11 : memref<12800xi32, #tpu.memory_space<vmem>>) target(%dma_start3A_449 : memref<12800xi32, #tpu.memory_space<hbm>>) target_semaphore(%arg22 : memref<!tpu.dma_semaphore, #tpu.memory_space<semaphore_mem>>)
      %dma_start3A_450 = tpu.memref_slice %arg7[%add3A_430] : memref<13107200xf32, #tpu.memory_space<hbm>> -> memref<12800xf32, #tpu.memory_space<hbm>>
      %dma_start3A_451 = tpu.memref_slice %arg7[%add3A_430] : memref<13107200xf32, #tpu.memory_space<hbm>> -> memref<12800xf32, #tpu.memory_space<hbm>>
      tpu.enqueue_dma source(%arg13 : memref<12800xf32, #tpu.memory_space<vmem>>) target(%dma_start3A_451 : memref<12800xf32, #tpu.memory_space<hbm>>) target_semaphore(%arg24 : memref<!tpu.dma_semaphore, #tpu.memory_space<semaphore_mem>>)
      %add3A_452 = arith.constant 1 : i32
      %add3A_453 = arith.addi %scan3A_424, %add3A_452 : i32
      %lt3A = arith.constant 16 : i32
      %lt3A_454 = arith.cmpi slt, %add3A_453, %lt3A : i32
      %convert_element_type3A_455 = arith.extui %lt3A_454 : i1 to i32
      %cond3A_456 = arith.constant 0 : i32
      %cond3A_457 = arith.cmpi ne, %convert_element_type3A_455, %cond3A_456 : i32
      scf.if %cond3A_457 {
        %add3A_480 = arith.constant 25600 : i32
        %add3A_481 = arith.addi %add3A_430, %add3A_480 : i32
        %dma_start3A_482 = tpu.memref_slice %arg2[%add3A_481] : memref<13107200xf32, #tpu.memory_space<hbm>> -> memref<12800xf32, #tpu.memory_space<hbm>>
        %dma_start3A_483 = tpu.memref_slice %arg2[%add3A_481] : memref<13107200xf32, #tpu.memory_space<hbm>> -> memref<12800xf32, #tpu.memory_space<hbm>>
        tpu.enqueue_dma source(%dma_start3A_483 : memref<12800xf32, #tpu.memory_space<hbm>>) target(%arg9 : memref<12800xf32, #tpu.memory_space<vmem>>) target_semaphore(%arg20 : memref<!tpu.dma_semaphore, #tpu.memory_space<semaphore_mem>>)
      } else {
      }
      %dma_wait3A_458 = tpu.memref_slice %arg2[%mul3A_2] : memref<13107200xf32, #tpu.memory_space<hbm>> -> memref<12800xf32, #tpu.memory_space<hbm>>
      %dma_wait3A_459 = tpu.memref_slice %arg2[%mul3A_2] : memref<13107200xf32, #tpu.memory_space<hbm>> -> memref<12800xf32, #tpu.memory_space<hbm>>
      tpu.wait_dma2 semaphore(%arg21 : memref<!tpu.dma_semaphore, #tpu.memory_space<semaphore_mem>>) src(%dma_wait3A_459 : memref<12800xf32, #tpu.memory_space<hbm>>) dst(%arg10 : memref<12800xf32, #tpu.memory_space<vmem>>)
      %ge3A_460 = arith.constant 1 : i32
      %ge3A_461 = arith.cmpi sge, %scan3A_424, %ge3A_460 : i32
      %convert_element_type3A_462 = arith.extui %ge3A_461 : i1 to i32
      %cond3A_463 = arith.constant 0 : i32
      %cond3A_464 = arith.cmpi ne, %convert_element_type3A_462, %cond3A_463 : i32
      scf.if %cond3A_464 {
        %dma_wait3A_480 = tpu.memref_slice %arg6[%mul3A_2] : memref<13107200xi32, #tpu.memory_space<hbm>> -> memref<12800xi32, #tpu.memory_space<hbm>>
        %dma_wait3A_481 = tpu.memref_slice %arg6[%mul3A_2] : memref<13107200xi32, #tpu.memory_space<hbm>> -> memref<12800xi32, #tpu.memory_space<hbm>>
        tpu.wait_dma2 semaphore(%arg23 : memref<!tpu.dma_semaphore, #tpu.memory_space<semaphore_mem>>) src(%arg12 : memref<12800xi32, #tpu.memory_space<vmem>>) dst(%dma_wait3A_481 : memref<12800xi32, #tpu.memory_space<hbm>>)
        %dma_wait3A_482 = tpu.memref_slice %arg7[%mul3A_2] : memref<13107200xf32, #tpu.memory_space<hbm>> -> memref<12800xf32, #tpu.memory_space<hbm>>
        %dma_wait3A_483 = tpu.memref_slice %arg7[%mul3A_2] : memref<13107200xf32, #tpu.memory_space<hbm>> -> memref<12800xf32, #tpu.memory_space<hbm>>
        tpu.wait_dma2 semaphore(%arg25 : memref<!tpu.dma_semaphore, #tpu.memory_space<semaphore_mem>>) src(%arg14 : memref<12800xf32, #tpu.memory_space<vmem>>) dst(%dma_wait3A_483 : memref<12800xf32, #tpu.memory_space<hbm>>)
      } else {
      }
      %parallel_loop3A_465 = arith.constant 0 : i32
      %parallel_loop3A_466 = arith.constant 800 : i32
      %parallel_loop3A_467 = arith.constant 1 : i32
      scf.for %parallel_loop3A_480 = %parallel_loop3A_465 to %parallel_loop3A_466 step %parallel_loop3A_467  : i32 {
        %parallel_loop3A_481 = arith.constant 16 : i32
        %parallel_loop3A_482 = arith.muli %parallel_loop3A_480, %parallel_loop3A_481 : i32
        %parallel_loop3A_483 = tpu.assume_multiple %parallel_loop3A_482, 16 : i32
        %parallel_loop3A_484 = arith.index_cast %parallel_loop3A_483 : i32 to index
        %parallel_loop3A_485 = tpu.vector_load %arg10[%parallel_loop3A_484] {strides = array<i32>} : memref<12800xf32, #tpu.memory_space<vmem>>, vector<16xf32>,
        %parallel_loop3A_486 = arith.constant 5.000000e+00 : f32
        %parallel_loop3A_487 = vector.broadcast %parallel_loop3A_486 : f32 to vector<16xf32>
        %parallel_loop3A_488 = arith.cmpf one, %parallel_loop3A_485, %parallel_loop3A_487 : vector<16xf32>
        %parallel_loop3A_489 = arith.constant 0.000000e+00 : f32
        %parallel_loop3A_490 = vector.broadcast %parallel_loop3A_489 : f32 to vector<16xf32>
        %parallel_loop3A_491 = arith.select %parallel_loop3A_488, %parallel_loop3A_485, %parallel_loop3A_490 : vector<16xi1>, vector<16xf32>
        %parallel_loop3A_492 = arith.mulf %parallel_loop3A_491, %get3A_3 : vector<16xf32>
        %parallel_loop3A_493 = arith.addf %parallel_loop3A_492, %get3A_5 : vector<16xf32>
        %parallel_loop3A_494 = arith.fptosi %parallel_loop3A_493 : vector<16xf32> to vector<16xi32>
        %parallel_loop3A_495 = arith.constant 0 : i32
        %parallel_loop3A_496 = vector.broadcast %parallel_loop3A_495 : i32 to vector<16xi32>
        %parallel_loop3A_497 = arith.maxsi %parallel_loop3A_494, %parallel_loop3A_496 : vector<16xi32>
        %parallel_loop3A_498 = arith.constant 128 : i32
        %parallel_loop3A_499 = vector.broadcast %parallel_loop3A_498 : i32 to vector<16xi32>
        %parallel_loop3A_500 = arith.minsi %parallel_loop3A_497, %parallel_loop3A_499 : vector<16xi32>
        %parallel_loop3A_501 = tpu.vector_load_idx %arg15[%parallel_loop3A_500] : memref<144xf32, #tpu.memory_space<vmem>>[vector<16xi32>], vector<16xf32>,
        %parallel_loop3A_502 = arith.cmpf ole, %parallel_loop3A_491, %parallel_loop3A_501 : vector<16xf32>
        %parallel_loop3A_503 = arith.constant 1 : i32
        %parallel_loop3A_504 = vector.broadcast %parallel_loop3A_503 : i32 to vector<16xi32>
        %parallel_loop3A_505 = arith.subi %parallel_loop3A_500, %parallel_loop3A_504 : vector<16xi32>
        %parallel_loop3A_506 = arith.select %parallel_loop3A_502, %parallel_loop3A_505, %parallel_loop3A_500 : vector<16xi1>, vector<16xi32>
        %parallel_loop3A_507 = arith.constant 0 : i32
        %parallel_loop3A_508 = vector.broadcast %parallel_loop3A_507 : i32 to vector<16xi32>
        %parallel_loop3A_509 = arith.maxsi %parallel_loop3A_506, %parallel_loop3A_508 : vector<16xi32>
        %parallel_loop3A_510 = arith.constant 127 : i32
        %parallel_loop3A_511 = vector.broadcast %parallel_loop3A_510 : i32 to vector<16xi32>
        %parallel_loop3A_512 = arith.minsi %parallel_loop3A_509, %parallel_loop3A_511 : vector<16xi32>
        %parallel_loop3A_513 = tpu.vector_load_idx %arg16[%parallel_loop3A_512] : memref<128xf32, #tpu.memory_space<vmem>>[vector<16xi32>], vector<16xf32>,
        %parallel_loop3A_514 = arith.index_cast %parallel_loop3A_483 : i32 to index
        %parallel_loop3A_515 = tpu.vector_load %arg12[%parallel_loop3A_514] {strides = array<i32>} : memref<12800xi32, #tpu.memory_space<vmem>>, vector<16xi32>,
        tpu.vector_store %arg12[%parallel_loop3A_514], %parallel_loop3A_512 {strides = array<i32>} : memref<12800xi32, #tpu.memory_space<vmem>>, vector<16xi32>,
        %parallel_loop3A_516 = arith.index_cast %parallel_loop3A_483 : i32 to index
        %parallel_loop3A_517 = tpu.vector_load %arg14[%parallel_loop3A_516] {strides = array<i32>} : memref<12800xf32, #tpu.memory_space<vmem>>, vector<16xf32>,
        tpu.vector_store %arg14[%parallel_loop3A_516], %parallel_loop3A_513 {strides = array<i32>} : memref<12800xf32, #tpu.memory_space<vmem>>, vector<16xf32>,
      } {sc.loop_unroll_factor = 4 : i64, sc.parallel_access}
      %scan3A_468 = arith.constant 0 : i32
      %scan3A_469 = arith.constant 0 : i32
      %scan3A_470 = arith.constant 800 : i32
      %scan3A_471 = arith.addi %scan3A_469, %scan3A_470 : i32
      %scan3A_472 = arith.constant 8 : i32
      %scan3A_473 = scf.for %scan3A_480 = %scan3A_469 to %scan3A_471 step %scan3A_472 iter_args(%scan3A_481 = %scan3A_468) -> (i32)  : i32 {
        %mul3A_482 = arith.constant 16 : i32
        %mul3A_483 = arith.muli %scan3A_480, %mul3A_482 : i32
        %multiple_of3A = tpu.assume_multiple %mul3A_483, 16 : i32
        %get3A_484 = arith.index_cast %multiple_of3A : i32 to index
        %get3A_485 = tpu.vector_load %arg12[%get3A_484] {strides = array<i32>} : memref<12800xi32, #tpu.memory_space<vmem>>, vector<16xi32>,
        %add3A_486 = arith.addi %mul3A_8, %get3A_485 : vector<16xi32>
        tpu.vector_store_idx %arg18[%add3A_486], %broadcast_in_dim3A_9 {add = true} : memref<2048xi32, #tpu.memory_space<vmem>>[vector<16xi32>], vector<16xi32>,
        %scan3A_487 = arith.constant 0 : i32
        %scan3A_488 = arith.constant 1 : i32
        %scan3A_489 = arith.addi %scan3A_480, %scan3A_488 : i32
        %mul3A_490 = arith.constant 16 : i32
        %mul3A_491 = arith.muli %scan3A_489, %mul3A_490 : i32
        %multiple_of3A_492 = tpu.assume_multiple %mul3A_491, 16 : i32
        %get3A_493 = arith.index_cast %multiple_of3A_492 : i32 to index
        %get3A_494 = tpu.vector_load %arg12[%get3A_493] {strides = array<i32>} : memref<12800xi32, #tpu.memory_space<vmem>>, vector<16xi32>,
        %add3A_495 = arith.addi %mul3A_8, %get3A_494 : vector<16xi32>
        tpu.vector_store_idx %arg18[%add3A_495], %broadcast_in_dim3A_9 {add = true} : memref<2048xi32, #tpu.memory_space<vmem>>[vector<16xi32>], vector<16xi32>,
        %scan3A_496 = arith.constant 0 : i32
        %scan3A_497 = arith.constant 2 : i32
        %scan3A_498 = arith.addi %scan3A_480, %scan3A_497 : i32
        %mul3A_499 = arith.constant 16 : i32
        %mul3A_500 = arith.muli %scan3A_498, %mul3A_499 : i32
        %multiple_of3A_501 = tpu.assume_multiple %mul3A_500, 16 : i32
        %get3A_502 = arith.index_cast %multiple_of3A_501 : i32 to index
        %get3A_503 = tpu.vector_load %arg12[%get3A_502] {strides = array<i32>} : memref<12800xi32, #tpu.memory_space<vmem>>, vector<16xi32>,
        %add3A_504 = arith.addi %mul3A_8, %get3A_503 : vector<16xi32>
        tpu.vector_store_idx %arg18[%add3A_504], %broadcast_in_dim3A_9 {add = true} : memref<2048xi32, #tpu.memory_space<vmem>>[vector<16xi32>], vector<16xi32>,
        %scan3A_505 = arith.constant 0 : i32
        %scan3A_506 = arith.constant 3 : i32
        %scan3A_507 = arith.addi %scan3A_480, %scan3A_506 : i32
        %mul3A_508 = arith.constant 16 : i32
        %mul3A_509 = arith.muli %scan3A_507, %mul3A_508 : i32
        %multiple_of3A_510 = tpu.assume_multiple %mul3A_509, 16 : i32
        %get3A_511 = arith.index_cast %multiple_of3A_510 : i32 to index
        %get3A_512 = tpu.vector_load %arg12[%get3A_511] {strides = array<i32>} : memref<12800xi32, #tpu.memory_space<vmem>>, vector<16xi32>,
        %add3A_513 = arith.addi %mul3A_8, %get3A_512 : vector<16xi32>
        tpu.vector_store_idx %arg18[%add3A_513], %broadcast_in_dim3A_9 {add = true} : memref<2048xi32, #tpu.memory_space<vmem>>[vector<16xi32>], vector<16xi32>,
        %scan3A_514 = arith.constant 0 : i32
        %scan3A_515 = arith.constant 4 : i32
        %scan3A_516 = arith.addi %scan3A_480, %scan3A_515 : i32
        %mul3A_517 = arith.constant 16 : i32
        %mul3A_518 = arith.muli %scan3A_516, %mul3A_517 : i32
        %multiple_of3A_519 = tpu.assume_multiple %mul3A_518, 16 : i32
        %get3A_520 = arith.index_cast %multiple_of3A_519 : i32 to index
        %get3A_521 = tpu.vector_load %arg12[%get3A_520] {strides = array<i32>} : memref<12800xi32, #tpu.memory_space<vmem>>, vector<16xi32>,
        %add3A_522 = arith.addi %mul3A_8, %get3A_521 : vector<16xi32>
        tpu.vector_store_idx %arg18[%add3A_522], %broadcast_in_dim3A_9 {add = true} : memref<2048xi32, #tpu.memory_space<vmem>>[vector<16xi32>], vector<16xi32>,
        %scan3A_523 = arith.constant 0 : i32
        %scan3A_524 = arith.constant 5 : i32
        %scan3A_525 = arith.addi %scan3A_480, %scan3A_524 : i32
        %mul3A_526 = arith.constant 16 : i32
        %mul3A_527 = arith.muli %scan3A_525, %mul3A_526 : i32
        %multiple_of3A_528 = tpu.assume_multiple %mul3A_527, 16 : i32
        %get3A_529 = arith.index_cast %multiple_of3A_528 : i32 to index
        %get3A_530 = tpu.vector_load %arg12[%get3A_529] {strides = array<i32>} : memref<12800xi32, #tpu.memory_space<vmem>>, vector<16xi32>,
        %add3A_531 = arith.addi %mul3A_8, %get3A_530 : vector<16xi32>
        tpu.vector_store_idx %arg18[%add3A_531], %broadcast_in_dim3A_9 {add = true} : memref<2048xi32, #tpu.memory_space<vmem>>[vector<16xi32>], vector<16xi32>,
        %scan3A_532 = arith.constant 0 : i32
        %scan3A_533 = arith.constant 6 : i32
        %scan3A_534 = arith.addi %scan3A_480, %scan3A_533 : i32
        %mul3A_535 = arith.constant 16 : i32
        %mul3A_536 = arith.muli %scan3A_534, %mul3A_535 : i32
        %multiple_of3A_537 = tpu.assume_multiple %mul3A_536, 16 : i32
        %get3A_538 = arith.index_cast %multiple_of3A_537 : i32 to index
        %get3A_539 = tpu.vector_load %arg12[%get3A_538] {strides = array<i32>} : memref<12800xi32, #tpu.memory_space<vmem>>, vector<16xi32>,
        %add3A_540 = arith.addi %mul3A_8, %get3A_539 : vector<16xi32>
        tpu.vector_store_idx %arg18[%add3A_540], %broadcast_in_dim3A_9 {add = true} : memref<2048xi32, #tpu.memory_space<vmem>>[vector<16xi32>], vector<16xi32>,
        %scan3A_541 = arith.constant 0 : i32
        %scan3A_542 = arith.constant 7 : i32
        %scan3A_543 = arith.addi %scan3A_480, %scan3A_542 : i32
        %mul3A_544 = arith.constant 16 : i32
        %mul3A_545 = arith.muli %scan3A_543, %mul3A_544 : i32
        %multiple_of3A_546 = tpu.assume_multiple %mul3A_545, 16 : i32
        %get3A_547 = arith.index_cast %multiple_of3A_546 : i32 to index
        %get3A_548 = tpu.vector_load %arg12[%get3A_547] {strides = array<i32>} : memref<12800xi32, #tpu.memory_space<vmem>>, vector<16xi32>,
        %add3A_549 = arith.addi %mul3A_8, %get3A_548 : vector<16xi32>
        tpu.vector_store_idx %arg18[%add3A_549], %broadcast_in_dim3A_9 {add = true} : memref<2048xi32, #tpu.memory_space<vmem>>[vector<16xi32>], vector<16xi32>,
        %scan3A_550 = arith.constant 0 : i32
        scf.yield %scan3A_550 : i32
      }
      %scan3A_474 = arith.constant 800 : i32
      %dma_start3A_475 = tpu.memref_slice %arg6[%add3A_432] : memref<13107200xi32, #tpu.memory_space<hbm>> -> memref<12800xi32, #tpu.memory_space<hbm>>
      %dma_start3A_476 = tpu.memref_slice %arg6[%add3A_432] : memref<13107200xi32, #tpu.memory_space<hbm>> -> memref<12800xi32, #tpu.memory_space<hbm>>
      tpu.enqueue_dma source(%arg12 : memref<12800xi32, #tpu.memory_space<vmem>>) target(%dma_start3A_476 : memref<12800xi32, #tpu.memory_space<hbm>>) target_semaphore(%arg23 : memref<!tpu.dma_semaphore, #tpu.memory_space<semaphore_mem>>)
      %dma_start3A_477 = tpu.memref_slice %arg7[%add3A_432] : memref<13107200xf32, #tpu.memory_space<hbm>> -> memref<12800xf32, #tpu.memory_space<hbm>>
      %dma_start3A_478 = tpu.memref_slice %arg7[%add3A_432] : memref<13107200xf32, #tpu.memory_space<hbm>> -> memref<12800xf32, #tpu.memory_space<hbm>>
      tpu.enqueue_dma source(%arg14 : memref<12800xf32, #tpu.memory_space<vmem>>) target(%dma_start3A_478 : memref<12800xf32, #tpu.memory_space<hbm>>) target_semaphore(%arg25 : memref<!tpu.dma_semaphore, #tpu.memory_space<semaphore_mem>>)
      %scan3A_479 = arith.constant 0 : i32
      scf.yield %scan3A_479 : i32
    }
    %scan3A_25 = arith.constant 16 : i32
    %dma_wait3A = tpu.memref_slice %arg6[%mul3A_2] : memref<13107200xi32, #tpu.memory_space<hbm>> -> memref<12800xi32, #tpu.memory_space<hbm>>
    %dma_wait3A_26 = tpu.memref_slice %arg6[%mul3A_2] : memref<13107200xi32, #tpu.memory_space<hbm>> -> memref<12800xi32, #tpu.memory_space<hbm>>
    tpu.wait_dma2 semaphore(%arg22 : memref<!tpu.dma_semaphore, #tpu.memory_space<semaphore_mem>>) src(%arg11 : memref<12800xi32, #tpu.memory_space<vmem>>) dst(%dma_wait3A_26 : memref<12800xi32, #tpu.memory_space<hbm>>)
    %dma_wait3A_27 = tpu.memref_slice %arg7[%mul3A_2] : memref<13107200xf32, #tpu.memory_space<hbm>> -> memref<12800xf32, #tpu.memory_space<hbm>>
    %dma_wait3A_28 = tpu.memref_slice %arg7[%mul3A_2] : memref<13107200xf32, #tpu.memory_space<hbm>> -> memref<12800xf32, #tpu.memory_space<hbm>>
    tpu.wait_dma2 semaphore(%arg24 : memref<!tpu.dma_semaphore, #tpu.memory_space<semaphore_mem>>) src(%arg13 : memref<12800xf32, #tpu.memory_space<vmem>>) dst(%dma_wait3A_28 : memref<12800xf32, #tpu.memory_space<hbm>>)
    %dma_wait3A_29 = tpu.memref_slice %arg6[%mul3A_2] : memref<13107200xi32, #tpu.memory_space<hbm>> -> memref<12800xi32, #tpu.memory_space<hbm>>
    %dma_wait3A_30 = tpu.memref_slice %arg6[%mul3A_2] : memref<13107200xi32, #tpu.memory_space<hbm>> -> memref<12800xi32, #tpu.memory_space<hbm>>
    tpu.wait_dma2 semaphore(%arg23 : memref<!tpu.dma_semaphore, #tpu.memory_space<semaphore_mem>>) src(%arg12 : memref<12800xi32, #tpu.memory_space<vmem>>) dst(%dma_wait3A_30 : memref<12800xi32, #tpu.memory_space<hbm>>)
    %dma_wait3A_31 = tpu.memref_slice %arg7[%mul3A_2] : memref<13107200xf32, #tpu.memory_space<hbm>> -> memref<12800xf32, #tpu.memory_space<hbm>>
    %dma_wait3A_32 = tpu.memref_slice %arg7[%mul3A_2] : memref<13107200xf32, #tpu.memory_space<hbm>> -> memref<12800xf32, #tpu.memory_space<hbm>>
    tpu.wait_dma2 semaphore(%arg25 : memref<!tpu.dma_semaphore, #tpu.memory_space<semaphore_mem>>) src(%arg14 : memref<12800xf32, #tpu.memory_space<vmem>>) dst(%dma_wait3A_32 : memref<12800xf32, #tpu.memory_space<hbm>>)
    %get3A_33 = arith.constant 0 : index
    %get3A_34 = tpu.vector_load %arg18[%get3A_33] {strides = array<i32>} : memref<2048xi32, #tpu.memory_space<vmem>>, vector<16xi32>,
    %get3A_35 = arith.constant 128 : index
    %get3A_36 = tpu.vector_load %arg18[%get3A_35] {strides = array<i32>} : memref<2048xi32, #tpu.memory_space<vmem>>, vector<16xi32>,
    %add3A_37 = arith.addi %get3A_34, %get3A_36 : vector<16xi32>
    %get3A_38 = arith.constant 256 : index
    %get3A_39 = tpu.vector_load %arg18[%get3A_38] {strides = array<i32>} : memref<2048xi32, #tpu.memory_space<vmem>>, vector<16xi32>,
    %add3A_40 = arith.addi %add3A_37, %get3A_39 : vector<16xi32>
    %get3A_41 = arith.constant 384 : index
    %get3A_42 = tpu.vector_load %arg18[%get3A_41] {strides = array<i32>} : memref<2048xi32, #tpu.memory_space<vmem>>, vector<16xi32>,
    %add3A_43 = arith.addi %add3A_40, %get3A_42 : vector<16xi32>
    %get3A_44 = arith.constant 512 : index
    %get3A_45 = tpu.vector_load %arg18[%get3A_44] {strides = array<i32>} : memref<2048xi32, #tpu.memory_space<vmem>>, vector<16xi32>,
    %add3A_46 = arith.addi %add3A_43, %get3A_45 : vector<16xi32>
    %get3A_47 = arith.constant 640 : index
    %get3A_48 = tpu.vector_load %arg18[%get3A_47] {strides = array<i32>} : memref<2048xi32, #tpu.memory_space<vmem>>, vector<16xi32>,
    %add3A_49 = arith.addi %add3A_46, %get3A_48 : vector<16xi32>
    %get3A_50 = arith.constant 768 : index
    %get3A_51 = tpu.vector_load %arg18[%get3A_50] {strides = array<i32>} : memref<2048xi32, #tpu.memory_space<vmem>>, vector<16xi32>,
    %add3A_52 = arith.addi %add3A_49, %get3A_51 : vector<16xi32>
    %get3A_53 = arith.constant 896 : index
    %get3A_54 = tpu.vector_load %arg18[%get3A_53] {strides = array<i32>} : memref<2048xi32, #tpu.memory_space<vmem>>, vector<16xi32>,
    %add3A_55 = arith.addi %add3A_52, %get3A_54 : vector<16xi32>
    %get3A_56 = arith.constant 1024 : index
    %get3A_57 = tpu.vector_load %arg18[%get3A_56] {strides = array<i32>} : memref<2048xi32, #tpu.memory_space<vmem>>, vector<16xi32>,
    %add3A_58 = arith.addi %add3A_55, %get3A_57 : vector<16xi32>
    %get3A_59 = arith.constant 1152 : index
    %get3A_60 = tpu.vector_load %arg18[%get3A_59] {strides = array<i32>} : memref<2048xi32, #tpu.memory_space<vmem>>, vector<16xi32>,
    %add3A_61 = arith.addi %add3A_58, %get3A_60 : vector<16xi32>
    %get3A_62 = arith.constant 1280 : index
    %get3A_63 = tpu.vector_load %arg18[%get3A_62] {strides = array<i32>} : memref<2048xi32, #tpu.memory_space<vmem>>, vector<16xi32>,
    %add3A_64 = arith.addi %add3A_61, %get3A_63 : vector<16xi32>
    %get3A_65 = arith.constant 1408 : index
    %get3A_66 = tpu.vector_load %arg18[%get3A_65] {strides = array<i32>} : memref<2048xi32, #tpu.memory_space<vmem>>, vector<16xi32>,
    %add3A_67 = arith.addi %add3A_64, %get3A_66 : vector<16xi32>
    %get3A_68 = arith.constant 1536 : index
    %get3A_69 = tpu.vector_load %arg18[%get3A_68] {strides = array<i32>} : memref<2048xi32, #tpu.memory_space<vmem>>, vector<16xi32>,
    %add3A_70 = arith.addi %add3A_67, %get3A_69 : vector<16xi32>
    %get3A_71 = arith.constant 1664 : index
    %get3A_72 = tpu.vector_load %arg18[%get3A_71] {strides = array<i32>} : memref<2048xi32, #tpu.memory_space<vmem>>, vector<16xi32>,
    %add3A_73 = arith.addi %add3A_70, %get3A_72 : vector<16xi32>
    %get3A_74 = arith.constant 1792 : index
    %get3A_75 = tpu.vector_load %arg18[%get3A_74] {strides = array<i32>} : memref<2048xi32, #tpu.memory_space<vmem>>, vector<16xi32>,
    %add3A_76 = arith.addi %add3A_73, %get3A_75 : vector<16xi32>
    %get3A_77 = arith.constant 1920 : index
    %get3A_78 = tpu.vector_load %arg18[%get3A_77] {strides = array<i32>} : memref<2048xi32, #tpu.memory_space<vmem>>, vector<16xi32>,
    %add3A_79 = arith.addi %add3A_76, %get3A_78 : vector<16xi32>
    %swap3A = arith.constant 0 : index
    %swap3A_80 = tpu.vector_load %arg19[%swap3A] {strides = array<i32>} : memref<128xi32, #tpu.memory_space<vmem>>, vector<16xi32>,
    tpu.vector_store %arg19[%swap3A], %add3A_79 {strides = array<i32>} : memref<128xi32, #tpu.memory_space<vmem>>, vector<16xi32>,
    %get3A_81 = arith.constant 16 : index
    %get3A_82 = tpu.vector_load %arg18[%get3A_81] {strides = array<i32>} : memref<2048xi32, #tpu.memory_space<vmem>>, vector<16xi32>,
    %get3A_83 = arith.constant 144 : index
    %get3A_84 = tpu.vector_load %arg18[%get3A_83] {strides = array<i32>} : memref<2048xi32, #tpu.memory_space<vmem>>, vector<16xi32>,
    %add3A_85 = arith.addi %get3A_82, %get3A_84 : vector<16xi32>
    %get3A_86 = arith.constant 272 : index
    %get3A_87 = tpu.vector_load %arg18[%get3A_86] {strides = array<i32>} : memref<2048xi32, #tpu.memory_space<vmem>>, vector<16xi32>,
    %add3A_88 = arith.addi %add3A_85, %get3A_87 : vector<16xi32>
    %get3A_89 = arith.constant 400 : index
    %get3A_90 = tpu.vector_load %arg18[%get3A_89] {strides = array<i32>} : memref<2048xi32, #tpu.memory_space<vmem>>, vector<16xi32>,
    %add3A_91 = arith.addi %add3A_88, %get3A_90 : vector<16xi32>
    %get3A_92 = arith.constant 528 : index
    %get3A_93 = tpu.vector_load %arg18[%get3A_92] {strides = array<i32>} : memref<2048xi32, #tpu.memory_space<vmem>>, vector<16xi32>,
    %add3A_94 = arith.addi %add3A_91, %get3A_93 : vector<16xi32>
    %get3A_95 = arith.constant 656 : index
    %get3A_96 = tpu.vector_load %arg18[%get3A_95] {strides = array<i32>} : memref<2048xi32, #tpu.memory_space<vmem>>, vector<16xi32>,
    %add3A_97 = arith.addi %add3A_94, %get3A_96 : vector<16xi32>
    %get3A_98 = arith.constant 784 : index
    %get3A_99 = tpu.vector_load %arg18[%get3A_98] {strides = array<i32>} : memref<2048xi32, #tpu.memory_space<vmem>>, vector<16xi32>,
    %add3A_100 = arith.addi %add3A_97, %get3A_99 : vector<16xi32>
    %get3A_101 = arith.constant 912 : index
    %get3A_102 = tpu.vector_load %arg18[%get3A_101] {strides = array<i32>} : memref<2048xi32, #tpu.memory_space<vmem>>, vector<16xi32>,
    %add3A_103 = arith.addi %add3A_100, %get3A_102 : vector<16xi32>
    %get3A_104 = arith.constant 1040 : index
    %get3A_105 = tpu.vector_load %arg18[%get3A_104] {strides = array<i32>} : memref<2048xi32, #tpu.memory_space<vmem>>, vector<16xi32>,
    %add3A_106 = arith.addi %add3A_103, %get3A_105 : vector<16xi32>
    %get3A_107 = arith.constant 1168 : index
    %get3A_108 = tpu.vector_load %arg18[%get3A_107] {strides = array<i32>} : memref<2048xi32, #tpu.memory_space<vmem>>, vector<16xi32>,
    %add3A_109 = arith.addi %add3A_106, %get3A_108 : vector<16xi32>
    %get3A_110 = arith.constant 1296 : index
    %get3A_111 = tpu.vector_load %arg18[%get3A_110] {strides = array<i32>} : memref<2048xi32, #tpu.memory_space<vmem>>, vector<16xi32>,
    %add3A_112 = arith.addi %add3A_109, %get3A_111 : vector<16xi32>
    %get3A_113 = arith.constant 1424 : index
    %get3A_114 = tpu.vector_load %arg18[%get3A_113] {strides = array<i32>} : memref<2048xi32, #tpu.memory_space<vmem>>, vector<16xi32>,
    %add3A_115 = arith.addi %add3A_112, %get3A_114 : vector<16xi32>
    %get3A_116 = arith.constant 1552 : index
    %get3A_117 = tpu.vector_load %arg18[%get3A_116] {strides = array<i32>} : memref<2048xi32, #tpu.memory_space<vmem>>, vector<16xi32>,
    %add3A_118 = arith.addi %add3A_115, %get3A_117 : vector<16xi32>
    %get3A_119 = arith.constant 1680 : index
    %get3A_120 = tpu.vector_load %arg18[%get3A_119] {strides = array<i32>} : memref<2048xi32, #tpu.memory_space<vmem>>, vector<16xi32>,
    %add3A_121 = arith.addi %add3A_118, %get3A_120 : vector<16xi32>
    %get3A_122 = arith.constant 1808 : index
    %get3A_123 = tpu.vector_load %arg18[%get3A_122] {strides = array<i32>} : memref<2048xi32, #tpu.memory_space<vmem>>, vector<16xi32>,
    %add3A_124 = arith.addi %add3A_121, %get3A_123 : vector<16xi32>
    %get3A_125 = arith.constant 1936 : index
    %get3A_126 = tpu.vector_load %arg18[%get3A_125] {strides = array<i32>} : memref<2048xi32, #tpu.memory_space<vmem>>, vector<16xi32>,
    %add3A_127 = arith.addi %add3A_124, %get3A_126 : vector<16xi32>
    %swap3A_128 = arith.constant 16 : index
    %swap3A_129 = tpu.vector_load %arg19[%swap3A_128] {strides = array<i32>} : memref<128xi32, #tpu.memory_space<vmem>>, vector<16xi32>,
    tpu.vector_store %arg19[%swap3A_128], %add3A_127 {strides = array<i32>} : memref<128xi32, #tpu.memory_space<vmem>>, vector<16xi32>,
    %get3A_130 = arith.constant 32 : index
    %get3A_131 = tpu.vector_load %arg18[%get3A_130] {strides = array<i32>} : memref<2048xi32, #tpu.memory_space<vmem>>, vector<16xi32>,
    %get3A_132 = arith.constant 160 : index
    %get3A_133 = tpu.vector_load %arg18[%get3A_132] {strides = array<i32>} : memref<2048xi32, #tpu.memory_space<vmem>>, vector<16xi32>,
    %add3A_134 = arith.addi %get3A_131, %get3A_133 : vector<16xi32>
    %get3A_135 = arith.constant 288 : index
    %get3A_136 = tpu.vector_load %arg18[%get3A_135] {strides = array<i32>} : memref<2048xi32, #tpu.memory_space<vmem>>, vector<16xi32>,
    %add3A_137 = arith.addi %add3A_134, %get3A_136 : vector<16xi32>
    %get3A_138 = arith.constant 416 : index
    %get3A_139 = tpu.vector_load %arg18[%get3A_138] {strides = array<i32>} : memref<2048xi32, #tpu.memory_space<vmem>>, vector<16xi32>,
    %add3A_140 = arith.addi %add3A_137, %get3A_139 : vector<16xi32>
    %get3A_141 = arith.constant 544 : index
    %get3A_142 = tpu.vector_load %arg18[%get3A_141] {strides = array<i32>} : memref<2048xi32, #tpu.memory_space<vmem>>, vector<16xi32>,
    %add3A_143 = arith.addi %add3A_140, %get3A_142 : vector<16xi32>
    %get3A_144 = arith.constant 672 : index
    %get3A_145 = tpu.vector_load %arg18[%get3A_144] {strides = array<i32>} : memref<2048xi32, #tpu.memory_space<vmem>>, vector<16xi32>,
    %add3A_146 = arith.addi %add3A_143, %get3A_145 : vector<16xi32>
    %get3A_147 = arith.constant 800 : index
    %get3A_148 = tpu.vector_load %arg18[%get3A_147] {strides = array<i32>} : memref<2048xi32, #tpu.memory_space<vmem>>, vector<16xi32>,
    %add3A_149 = arith.addi %add3A_146, %get3A_148 : vector<16xi32>
    %get3A_150 = arith.constant 928 : index
    %get3A_151 = tpu.vector_load %arg18[%get3A_150] {strides = array<i32>} : memref<2048xi32, #tpu.memory_space<vmem>>, vector<16xi32>,
    %add3A_152 = arith.addi %add3A_149, %get3A_151 : vector<16xi32>
    %get3A_153 = arith.constant 1056 : index
    %get3A_154 = tpu.vector_load %arg18[%get3A_153] {strides = array<i32>} : memref<2048xi32, #tpu.memory_space<vmem>>, vector<16xi32>,
    %add3A_155 = arith.addi %add3A_152, %get3A_154 : vector<16xi32>
    %get3A_156 = arith.constant 1184 : index
    %get3A_157 = tpu.vector_load %arg18[%get3A_156] {strides = array<i32>} : memref<2048xi32, #tpu.memory_space<vmem>>, vector<16xi32>,
    %add3A_158 = arith.addi %add3A_155, %get3A_157 : vector<16xi32>
    %get3A_159 = arith.constant 1312 : index
    %get3A_160 = tpu.vector_load %arg18[%get3A_159] {strides = array<i32>} : memref<2048xi32, #tpu.memory_space<vmem>>, vector<16xi32>,
    %add3A_161 = arith.addi %add3A_158, %get3A_160 : vector<16xi32>
    %get3A_162 = arith.constant 1440 : index
    %get3A_163 = tpu.vector_load %arg18[%get3A_162] {strides = array<i32>} : memref<2048xi32, #tpu.memory_space<vmem>>, vector<16xi32>,
    %add3A_164 = arith.addi %add3A_161, %get3A_163 : vector<16xi32>
    %get3A_165 = arith.constant 1568 : index
    %get3A_166 = tpu.vector_load %arg18[%get3A_165] {strides = array<i32>} : memref<2048xi32, #tpu.memory_space<vmem>>, vector<16xi32>,
    %add3A_167 = arith.addi %add3A_164, %get3A_166 : vector<16xi32>
    %get3A_168 = arith.constant 1696 : index
    %get3A_169 = tpu.vector_load %arg18[%get3A_168] {strides = array<i32>} : memref<2048xi32, #tpu.memory_space<vmem>>, vector<16xi32>,
    %add3A_170 = arith.addi %add3A_167, %get3A_169 : vector<16xi32>
    %get3A_171 = arith.constant 1824 : index
    %get3A_172 = tpu.vector_load %arg18[%get3A_171] {strides = array<i32>} : memref<2048xi32, #tpu.memory_space<vmem>>, vector<16xi32>,
    %add3A_173 = arith.addi %add3A_170, %get3A_172 : vector<16xi32>
    %get3A_174 = arith.constant 1952 : index
    %get3A_175 = tpu.vector_load %arg18[%get3A_174] {strides = array<i32>} : memref<2048xi32, #tpu.memory_space<vmem>>, vector<16xi32>,
    %add3A_176 = arith.addi %add3A_173, %get3A_175 : vector<16xi32>
    %swap3A_177 = arith.constant 32 : index
    %swap3A_178 = tpu.vector_load %arg19[%swap3A_177] {strides = array<i32>} : memref<128xi32, #tpu.memory_space<vmem>>, vector<16xi32>,
    tpu.vector_store %arg19[%swap3A_177], %add3A_176 {strides = array<i32>} : memref<128xi32, #tpu.memory_space<vmem>>, vector<16xi32>,
    %get3A_179 = arith.constant 48 : index
    %get3A_180 = tpu.vector_load %arg18[%get3A_179] {strides = array<i32>} : memref<2048xi32, #tpu.memory_space<vmem>>, vector<16xi32>,
    %get3A_181 = arith.constant 176 : index
    %get3A_182 = tpu.vector_load %arg18[%get3A_181] {strides = array<i32>} : memref<2048xi32, #tpu.memory_space<vmem>>, vector<16xi32>,
    %add3A_183 = arith.addi %get3A_180, %get3A_182 : vector<16xi32>
    %get3A_184 = arith.constant 304 : index
    %get3A_185 = tpu.vector_load %arg18[%get3A_184] {strides = array<i32>} : memref<2048xi32, #tpu.memory_space<vmem>>, vector<16xi32>,
    %add3A_186 = arith.addi %add3A_183, %get3A_185 : vector<16xi32>
    %get3A_187 = arith.constant 432 : index
    %get3A_188 = tpu.vector_load %arg18[%get3A_187] {strides = array<i32>} : memref<2048xi32, #tpu.memory_space<vmem>>, vector<16xi32>,
    %add3A_189 = arith.addi %add3A_186, %get3A_188 : vector<16xi32>
    %get3A_190 = arith.constant 560 : index
    %get3A_191 = tpu.vector_load %arg18[%get3A_190] {strides = array<i32>} : memref<2048xi32, #tpu.memory_space<vmem>>, vector<16xi32>,
    %add3A_192 = arith.addi %add3A_189, %get3A_191 : vector<16xi32>
    %get3A_193 = arith.constant 688 : index
    %get3A_194 = tpu.vector_load %arg18[%get3A_193] {strides = array<i32>} : memref<2048xi32, #tpu.memory_space<vmem>>, vector<16xi32>,
    %add3A_195 = arith.addi %add3A_192, %get3A_194 : vector<16xi32>
    %get3A_196 = arith.constant 816 : index
    %get3A_197 = tpu.vector_load %arg18[%get3A_196] {strides = array<i32>} : memref<2048xi32, #tpu.memory_space<vmem>>, vector<16xi32>,
    %add3A_198 = arith.addi %add3A_195, %get3A_197 : vector<16xi32>
    %get3A_199 = arith.constant 944 : index
    %get3A_200 = tpu.vector_load %arg18[%get3A_199] {strides = array<i32>} : memref<2048xi32, #tpu.memory_space<vmem>>, vector<16xi32>,
    %add3A_201 = arith.addi %add3A_198, %get3A_200 : vector<16xi32>
    %get3A_202 = arith.constant 1072 : index
    %get3A_203 = tpu.vector_load %arg18[%get3A_202] {strides = array<i32>} : memref<2048xi32, #tpu.memory_space<vmem>>, vector<16xi32>,
    %add3A_204 = arith.addi %add3A_201, %get3A_203 : vector<16xi32>
    %get3A_205 = arith.constant 1200 : index
    %get3A_206 = tpu.vector_load %arg18[%get3A_205] {strides = array<i32>} : memref<2048xi32, #tpu.memory_space<vmem>>, vector<16xi32>,
    %add3A_207 = arith.addi %add3A_204, %get3A_206 : vector<16xi32>
    %get3A_208 = arith.constant 1328 : index
    %get3A_209 = tpu.vector_load %arg18[%get3A_208] {strides = array<i32>} : memref<2048xi32, #tpu.memory_space<vmem>>, vector<16xi32>,
    %add3A_210 = arith.addi %add3A_207, %get3A_209 : vector<16xi32>
    %get3A_211 = arith.constant 1456 : index
    %get3A_212 = tpu.vector_load %arg18[%get3A_211] {strides = array<i32>} : memref<2048xi32, #tpu.memory_space<vmem>>, vector<16xi32>,
    %add3A_213 = arith.addi %add3A_210, %get3A_212 : vector<16xi32>
    %get3A_214 = arith.constant 1584 : index
    %get3A_215 = tpu.vector_load %arg18[%get3A_214] {strides = array<i32>} : memref<2048xi32, #tpu.memory_space<vmem>>, vector<16xi32>,
    %add3A_216 = arith.addi %add3A_213, %get3A_215 : vector<16xi32>
    %get3A_217 = arith.constant 1712 : index
    %get3A_218 = tpu.vector_load %arg18[%get3A_217] {strides = array<i32>} : memref<2048xi32, #tpu.memory_space<vmem>>, vector<16xi32>,
    %add3A_219 = arith.addi %add3A_216, %get3A_218 : vector<16xi32>
    %get3A_220 = arith.constant 1840 : index
    %get3A_221 = tpu.vector_load %arg18[%get3A_220] {strides = array<i32>} : memref<2048xi32, #tpu.memory_space<vmem>>, vector<16xi32>,
    %add3A_222 = arith.addi %add3A_219, %get3A_221 : vector<16xi32>
    %get3A_223 = arith.constant 1968 : index
    %get3A_224 = tpu.vector_load %arg18[%get3A_223] {strides = array<i32>} : memref<2048xi32, #tpu.memory_space<vmem>>, vector<16xi32>,
    %add3A_225 = arith.addi %add3A_222, %get3A_224 : vector<16xi32>
    %swap3A_226 = arith.constant 48 : index
    %swap3A_227 = tpu.vector_load %arg19[%swap3A_226] {strides = array<i32>} : memref<128xi32, #tpu.memory_space<vmem>>, vector<16xi32>,
    tpu.vector_store %arg19[%swap3A_226], %add3A_225 {strides = array<i32>} : memref<128xi32, #tpu.memory_space<vmem>>, vector<16xi32>,
    %get3A_228 = arith.constant 64 : index
    %get3A_229 = tpu.vector_load %arg18[%get3A_228] {strides = array<i32>} : memref<2048xi32, #tpu.memory_space<vmem>>, vector<16xi32>,
    %get3A_230 = arith.constant 192 : index
    %get3A_231 = tpu.vector_load %arg18[%get3A_230] {strides = array<i32>} : memref<2048xi32, #tpu.memory_space<vmem>>, vector<16xi32>,
    %add3A_232 = arith.addi %get3A_229, %get3A_231 : vector<16xi32>
    %get3A_233 = arith.constant 320 : index
    %get3A_234 = tpu.vector_load %arg18[%get3A_233] {strides = array<i32>} : memref<2048xi32, #tpu.memory_space<vmem>>, vector<16xi32>,
    %add3A_235 = arith.addi %add3A_232, %get3A_234 : vector<16xi32>
    %get3A_236 = arith.constant 448 : index
    %get3A_237 = tpu.vector_load %arg18[%get3A_236] {strides = array<i32>} : memref<2048xi32, #tpu.memory_space<vmem>>, vector<16xi32>,
    %add3A_238 = arith.addi %add3A_235, %get3A_237 : vector<16xi32>
    %get3A_239 = arith.constant 576 : index
    %get3A_240 = tpu.vector_load %arg18[%get3A_239] {strides = array<i32>} : memref<2048xi32, #tpu.memory_space<vmem>>, vector<16xi32>,
    %add3A_241 = arith.addi %add3A_238, %get3A_240 : vector<16xi32>
    %get3A_242 = arith.constant 704 : index
    %get3A_243 = tpu.vector_load %arg18[%get3A_242] {strides = array<i32>} : memref<2048xi32, #tpu.memory_space<vmem>>, vector<16xi32>,
    %add3A_244 = arith.addi %add3A_241, %get3A_243 : vector<16xi32>
    %get3A_245 = arith.constant 832 : index
    %get3A_246 = tpu.vector_load %arg18[%get3A_245] {strides = array<i32>} : memref<2048xi32, #tpu.memory_space<vmem>>, vector<16xi32>,
    %add3A_247 = arith.addi %add3A_244, %get3A_246 : vector<16xi32>
    %get3A_248 = arith.constant 960 : index
    %get3A_249 = tpu.vector_load %arg18[%get3A_248] {strides = array<i32>} : memref<2048xi32, #tpu.memory_space<vmem>>, vector<16xi32>,
    %add3A_250 = arith.addi %add3A_247, %get3A_249 : vector<16xi32>
    %get3A_251 = arith.constant 1088 : index
    %get3A_252 = tpu.vector_load %arg18[%get3A_251] {strides = array<i32>} : memref<2048xi32, #tpu.memory_space<vmem>>, vector<16xi32>,
    %add3A_253 = arith.addi %add3A_250, %get3A_252 : vector<16xi32>
    %get3A_254 = arith.constant 1216 : index
    %get3A_255 = tpu.vector_load %arg18[%get3A_254] {strides = array<i32>} : memref<2048xi32, #tpu.memory_space<vmem>>, vector<16xi32>,
    %add3A_256 = arith.addi %add3A_253, %get3A_255 : vector<16xi32>
    %get3A_257 = arith.constant 1344 : index
    %get3A_258 = tpu.vector_load %arg18[%get3A_257] {strides = array<i32>} : memref<2048xi32, #tpu.memory_space<vmem>>, vector<16xi32>,
    %add3A_259 = arith.addi %add3A_256, %get3A_258 : vector<16xi32>
    %get3A_260 = arith.constant 1472 : index
    %get3A_261 = tpu.vector_load %arg18[%get3A_260] {strides = array<i32>} : memref<2048xi32, #tpu.memory_space<vmem>>, vector<16xi32>,
    %add3A_262 = arith.addi %add3A_259, %get3A_261 : vector<16xi32>
    %get3A_263 = arith.constant 1600 : index
    %get3A_264 = tpu.vector_load %arg18[%get3A_263] {strides = array<i32>} : memref<2048xi32, #tpu.memory_space<vmem>>, vector<16xi32>,
    %add3A_265 = arith.addi %add3A_262, %get3A_264 : vector<16xi32>
    %get3A_266 = arith.constant 1728 : index
    %get3A_267 = tpu.vector_load %arg18[%get3A_266] {strides = array<i32>} : memref<2048xi32, #tpu.memory_space<vmem>>, vector<16xi32>,
    %add3A_268 = arith.addi %add3A_265, %get3A_267 : vector<16xi32>
    %get3A_269 = arith.constant 1856 : index
    %get3A_270 = tpu.vector_load %arg18[%get3A_269] {strides = array<i32>} : memref<2048xi32, #tpu.memory_space<vmem>>, vector<16xi32>,
    %add3A_271 = arith.addi %add3A_268, %get3A_270 : vector<16xi32>
    %get3A_272 = arith.constant 1984 : index
    %get3A_273 = tpu.vector_load %arg18[%get3A_272] {strides = array<i32>} : memref<2048xi32, #tpu.memory_space<vmem>>, vector<16xi32>,
    %add3A_274 = arith.addi %add3A_271, %get3A_273 : vector<16xi32>
    %swap3A_275 = arith.constant 64 : index
    %swap3A_276 = tpu.vector_load %arg19[%swap3A_275] {strides = array<i32>} : memref<128xi32, #tpu.memory_space<vmem>>, vector<16xi32>,
    tpu.vector_store %arg19[%swap3A_275], %add3A_274 {strides = array<i32>} : memref<128xi32, #tpu.memory_space<vmem>>, vector<16xi32>,
    %get3A_277 = arith.constant 80 : index
    %get3A_278 = tpu.vector_load %arg18[%get3A_277] {strides = array<i32>} : memref<2048xi32, #tpu.memory_space<vmem>>, vector<16xi32>,
    %get3A_279 = arith.constant 208 : index
    %get3A_280 = tpu.vector_load %arg18[%get3A_279] {strides = array<i32>} : memref<2048xi32, #tpu.memory_space<vmem>>, vector<16xi32>,
    %add3A_281 = arith.addi %get3A_278, %get3A_280 : vector<16xi32>
    %get3A_282 = arith.constant 336 : index
    %get3A_283 = tpu.vector_load %arg18[%get3A_282] {strides = array<i32>} : memref<2048xi32, #tpu.memory_space<vmem>>, vector<16xi32>,
    %add3A_284 = arith.addi %add3A_281, %get3A_283 : vector<16xi32>
    %get3A_285 = arith.constant 464 : index
    %get3A_286 = tpu.vector_load %arg18[%get3A_285] {strides = array<i32>} : memref<2048xi32, #tpu.memory_space<vmem>>, vector<16xi32>,
    %add3A_287 = arith.addi %add3A_284, %get3A_286 : vector<16xi32>
    %get3A_288 = arith.constant 592 : index
    %get3A_289 = tpu.vector_load %arg18[%get3A_288] {strides = array<i32>} : memref<2048xi32, #tpu.memory_space<vmem>>, vector<16xi32>,
    %add3A_290 = arith.addi %add3A_287, %get3A_289 : vector<16xi32>
    %get3A_291 = arith.constant 720 : index
    %get3A_292 = tpu.vector_load %arg18[%get3A_291] {strides = array<i32>} : memref<2048xi32, #tpu.memory_space<vmem>>, vector<16xi32>,
    %add3A_293 = arith.addi %add3A_290, %get3A_292 : vector<16xi32>
    %get3A_294 = arith.constant 848 : index
    %get3A_295 = tpu.vector_load %arg18[%get3A_294] {strides = array<i32>} : memref<2048xi32, #tpu.memory_space<vmem>>, vector<16xi32>,
    %add3A_296 = arith.addi %add3A_293, %get3A_295 : vector<16xi32>
    %get3A_297 = arith.constant 976 : index
    %get3A_298 = tpu.vector_load %arg18[%get3A_297] {strides = array<i32>} : memref<2048xi32, #tpu.memory_space<vmem>>, vector<16xi32>,
    %add3A_299 = arith.addi %add3A_296, %get3A_298 : vector<16xi32>
    %get3A_300 = arith.constant 1104 : index
    %get3A_301 = tpu.vector_load %arg18[%get3A_300] {strides = array<i32>} : memref<2048xi32, #tpu.memory_space<vmem>>, vector<16xi32>,
    %add3A_302 = arith.addi %add3A_299, %get3A_301 : vector<16xi32>
    %get3A_303 = arith.constant 1232 : index
    %get3A_304 = tpu.vector_load %arg18[%get3A_303] {strides = array<i32>} : memref<2048xi32, #tpu.memory_space<vmem>>, vector<16xi32>,
    %add3A_305 = arith.addi %add3A_302, %get3A_304 : vector<16xi32>
    %get3A_306 = arith.constant 1360 : index
    %get3A_307 = tpu.vector_load %arg18[%get3A_306] {strides = array<i32>} : memref<2048xi32, #tpu.memory_space<vmem>>, vector<16xi32>,
    %add3A_308 = arith.addi %add3A_305, %get3A_307 : vector<16xi32>
    %get3A_309 = arith.constant 1488 : index
    %get3A_310 = tpu.vector_load %arg18[%get3A_309] {strides = array<i32>} : memref<2048xi32, #tpu.memory_space<vmem>>, vector<16xi32>,
    %add3A_311 = arith.addi %add3A_308, %get3A_310 : vector<16xi32>
    %get3A_312 = arith.constant 1616 : index
    %get3A_313 = tpu.vector_load %arg18[%get3A_312] {strides = array<i32>} : memref<2048xi32, #tpu.memory_space<vmem>>, vector<16xi32>,
    %add3A_314 = arith.addi %add3A_311, %get3A_313 : vector<16xi32>
    %get3A_315 = arith.constant 1744 : index
    %get3A_316 = tpu.vector_load %arg18[%get3A_315] {strides = array<i32>} : memref<2048xi32, #tpu.memory_space<vmem>>, vector<16xi32>,
    %add3A_317 = arith.addi %add3A_314, %get3A_316 : vector<16xi32>
    %get3A_318 = arith.constant 1872 : index
    %get3A_319 = tpu.vector_load %arg18[%get3A_318] {strides = array<i32>} : memref<2048xi32, #tpu.memory_space<vmem>>, vector<16xi32>,
    %add3A_320 = arith.addi %add3A_317, %get3A_319 : vector<16xi32>
    %get3A_321 = arith.constant 2000 : index
    %get3A_322 = tpu.vector_load %arg18[%get3A_321] {strides = array<i32>} : memref<2048xi32, #tpu.memory_space<vmem>>, vector<16xi32>,
    %add3A_323 = arith.addi %add3A_320, %get3A_322 : vector<16xi32>
    %swap3A_324 = arith.constant 80 : index
    %swap3A_325 = tpu.vector_load %arg19[%swap3A_324] {strides = array<i32>} : memref<128xi32, #tpu.memory_space<vmem>>, vector<16xi32>,
    tpu.vector_store %arg19[%swap3A_324], %add3A_323 {strides = array<i32>} : memref<128xi32, #tpu.memory_space<vmem>>, vector<16xi32>,
    %get3A_326 = arith.constant 96 : index
    %get3A_327 = tpu.vector_load %arg18[%get3A_326] {strides = array<i32>} : memref<2048xi32, #tpu.memory_space<vmem>>, vector<16xi32>,
    %get3A_328 = arith.constant 224 : index
    %get3A_329 = tpu.vector_load %arg18[%get3A_328] {strides = array<i32>} : memref<2048xi32, #tpu.memory_space<vmem>>, vector<16xi32>,
    %add3A_330 = arith.addi %get3A_327, %get3A_329 : vector<16xi32>
    %get3A_331 = arith.constant 352 : index
    %get3A_332 = tpu.vector_load %arg18[%get3A_331] {strides = array<i32>} : memref<2048xi32, #tpu.memory_space<vmem>>, vector<16xi32>,
    %add3A_333 = arith.addi %add3A_330, %get3A_332 : vector<16xi32>
    %get3A_334 = arith.constant 480 : index
    %get3A_335 = tpu.vector_load %arg18[%get3A_334] {strides = array<i32>} : memref<2048xi32, #tpu.memory_space<vmem>>, vector<16xi32>,
    %add3A_336 = arith.addi %add3A_333, %get3A_335 : vector<16xi32>
    %get3A_337 = arith.constant 608 : index
    %get3A_338 = tpu.vector_load %arg18[%get3A_337] {strides = array<i32>} : memref<2048xi32, #tpu.memory_space<vmem>>, vector<16xi32>,
    %add3A_339 = arith.addi %add3A_336, %get3A_338 : vector<16xi32>
    %get3A_340 = arith.constant 736 : index
    %get3A_341 = tpu.vector_load %arg18[%get3A_340] {strides = array<i32>} : memref<2048xi32, #tpu.memory_space<vmem>>, vector<16xi32>,
    %add3A_342 = arith.addi %add3A_339, %get3A_341 : vector<16xi32>
    %get3A_343 = arith.constant 864 : index
    %get3A_344 = tpu.vector_load %arg18[%get3A_343] {strides = array<i32>} : memref<2048xi32, #tpu.memory_space<vmem>>, vector<16xi32>,
    %add3A_345 = arith.addi %add3A_342, %get3A_344 : vector<16xi32>
    %get3A_346 = arith.constant 992 : index
    %get3A_347 = tpu.vector_load %arg18[%get3A_346] {strides = array<i32>} : memref<2048xi32, #tpu.memory_space<vmem>>, vector<16xi32>,
    %add3A_348 = arith.addi %add3A_345, %get3A_347 : vector<16xi32>
    %get3A_349 = arith.constant 1120 : index
    %get3A_350 = tpu.vector_load %arg18[%get3A_349] {strides = array<i32>} : memref<2048xi32, #tpu.memory_space<vmem>>, vector<16xi32>,
    %add3A_351 = arith.addi %add3A_348, %get3A_350 : vector<16xi32>
    %get3A_352 = arith.constant 1248 : index
    %get3A_353 = tpu.vector_load %arg18[%get3A_352] {strides = array<i32>} : memref<2048xi32, #tpu.memory_space<vmem>>, vector<16xi32>,
    %add3A_354 = arith.addi %add3A_351, %get3A_353 : vector<16xi32>
    %get3A_355 = arith.constant 1376 : index
    %get3A_356 = tpu.vector_load %arg18[%get3A_355] {strides = array<i32>} : memref<2048xi32, #tpu.memory_space<vmem>>, vector<16xi32>,
    %add3A_357 = arith.addi %add3A_354, %get3A_356 : vector<16xi32>
    %get3A_358 = arith.constant 1504 : index
    %get3A_359 = tpu.vector_load %arg18[%get3A_358] {strides = array<i32>} : memref<2048xi32, #tpu.memory_space<vmem>>, vector<16xi32>,
    %add3A_360 = arith.addi %add3A_357, %get3A_359 : vector<16xi32>
    %get3A_361 = arith.constant 1632 : index
    %get3A_362 = tpu.vector_load %arg18[%get3A_361] {strides = array<i32>} : memref<2048xi32, #tpu.memory_space<vmem>>, vector<16xi32>,
    %add3A_363 = arith.addi %add3A_360, %get3A_362 : vector<16xi32>
    %get3A_364 = arith.constant 1760 : index
    %get3A_365 = tpu.vector_load %arg18[%get3A_364] {strides = array<i32>} : memref<2048xi32, #tpu.memory_space<vmem>>, vector<16xi32>,
    %add3A_366 = arith.addi %add3A_363, %get3A_365 : vector<16xi32>
    %get3A_367 = arith.constant 1888 : index
    %get3A_368 = tpu.vector_load %arg18[%get3A_367] {strides = array<i32>} : memref<2048xi32, #tpu.memory_space<vmem>>, vector<16xi32>,
    %add3A_369 = arith.addi %add3A_366, %get3A_368 : vector<16xi32>
    %get3A_370 = arith.constant 2016 : index
    %get3A_371 = tpu.vector_load %arg18[%get3A_370] {strides = array<i32>} : memref<2048xi32, #tpu.memory_space<vmem>>, vector<16xi32>,
    %add3A_372 = arith.addi %add3A_369, %get3A_371 : vector<16xi32>
    %swap3A_373 = arith.constant 96 : index
    %swap3A_374 = tpu.vector_load %arg19[%swap3A_373] {strides = array<i32>} : memref<128xi32, #tpu.memory_space<vmem>>, vector<16xi32>,
    tpu.vector_store %arg19[%swap3A_373], %add3A_372 {strides = array<i32>} : memref<128xi32, #tpu.memory_space<vmem>>, vector<16xi32>,
    %get3A_375 = arith.constant 112 : index
    %get3A_376 = tpu.vector_load %arg18[%get3A_375] {strides = array<i32>} : memref<2048xi32, #tpu.memory_space<vmem>>, vector<16xi32>,
    %get3A_377 = arith.constant 240 : index
    %get3A_378 = tpu.vector_load %arg18[%get3A_377] {strides = array<i32>} : memref<2048xi32, #tpu.memory_space<vmem>>, vector<16xi32>,
    %add3A_379 = arith.addi %get3A_376, %get3A_378 : vector<16xi32>
    %get3A_380 = arith.constant 368 : index
    %get3A_381 = tpu.vector_load %arg18[%get3A_380] {strides = array<i32>} : memref<2048xi32, #tpu.memory_space<vmem>>, vector<16xi32>,
    %add3A_382 = arith.addi %add3A_379, %get3A_381 : vector<16xi32>
    %get3A_383 = arith.constant 496 : index
    %get3A_384 = tpu.vector_load %arg18[%get3A_383] {strides = array<i32>} : memref<2048xi32, #tpu.memory_space<vmem>>, vector<16xi32>,
    %add3A_385 = arith.addi %add3A_382, %get3A_384 : vector<16xi32>
    %get3A_386 = arith.constant 624 : index
    %get3A_387 = tpu.vector_load %arg18[%get3A_386] {strides = array<i32>} : memref<2048xi32, #tpu.memory_space<vmem>>, vector<16xi32>,
    %add3A_388 = arith.addi %add3A_385, %get3A_387 : vector<16xi32>
    %get3A_389 = arith.constant 752 : index
    %get3A_390 = tpu.vector_load %arg18[%get3A_389] {strides = array<i32>} : memref<2048xi32, #tpu.memory_space<vmem>>, vector<16xi32>,
    %add3A_391 = arith.addi %add3A_388, %get3A_390 : vector<16xi32>
    %get3A_392 = arith.constant 880 : index
    %get3A_393 = tpu.vector_load %arg18[%get3A_392] {strides = array<i32>} : memref<2048xi32, #tpu.memory_space<vmem>>, vector<16xi32>,
    %add3A_394 = arith.addi %add3A_391, %get3A_393 : vector<16xi32>
    %get3A_395 = arith.constant 1008 : index
    %get3A_396 = tpu.vector_load %arg18[%get3A_395] {strides = array<i32>} : memref<2048xi32, #tpu.memory_space<vmem>>, vector<16xi32>,
    %add3A_397 = arith.addi %add3A_394, %get3A_396 : vector<16xi32>
    %get3A_398 = arith.constant 1136 : index
    %get3A_399 = tpu.vector_load %arg18[%get3A_398] {strides = array<i32>} : memref<2048xi32, #tpu.memory_space<vmem>>, vector<16xi32>,
    %add3A_400 = arith.addi %add3A_397, %get3A_399 : vector<16xi32>
    %get3A_401 = arith.constant 1264 : index
    %get3A_402 = tpu.vector_load %arg18[%get3A_401] {strides = array<i32>} : memref<2048xi32, #tpu.memory_space<vmem>>, vector<16xi32>,
    %add3A_403 = arith.addi %add3A_400, %get3A_402 : vector<16xi32>
    %get3A_404 = arith.constant 1392 : index
    %get3A_405 = tpu.vector_load %arg18[%get3A_404] {strides = array<i32>} : memref<2048xi32, #tpu.memory_space<vmem>>, vector<16xi32>,
    %add3A_406 = arith.addi %add3A_403, %get3A_405 : vector<16xi32>
    %get3A_407 = arith.constant 1520 : index
    %get3A_408 = tpu.vector_load %arg18[%get3A_407] {strides = array<i32>} : memref<2048xi32, #tpu.memory_space<vmem>>, vector<16xi32>,
    %add3A_409 = arith.addi %add3A_406, %get3A_408 : vector<16xi32>
    %get3A_410 = arith.constant 1648 : index
    %get3A_411 = tpu.vector_load %arg18[%get3A_410] {strides = array<i32>} : memref<2048xi32, #tpu.memory_space<vmem>>, vector<16xi32>,
    %add3A_412 = arith.addi %add3A_409, %get3A_411 : vector<16xi32>
    %get3A_413 = arith.constant 1776 : index
    %get3A_414 = tpu.vector_load %arg18[%get3A_413] {strides = array<i32>} : memref<2048xi32, #tpu.memory_space<vmem>>, vector<16xi32>,
    %add3A_415 = arith.addi %add3A_412, %get3A_414 : vector<16xi32>
    %get3A_416 = arith.constant 1904 : index
    %get3A_417 = tpu.vector_load %arg18[%get3A_416] {strides = array<i32>} : memref<2048xi32, #tpu.memory_space<vmem>>, vector<16xi32>,
    %add3A_418 = arith.addi %add3A_415, %get3A_417 : vector<16xi32>
    %get3A_419 = arith.constant 2032 : index
    %get3A_420 = tpu.vector_load %arg18[%get3A_419] {strides = array<i32>} : memref<2048xi32, #tpu.memory_space<vmem>>, vector<16xi32>,
    %add3A_421 = arith.addi %add3A_418, %get3A_420 : vector<16xi32>
    %swap3A_422 = arith.constant 112 : index
    %swap3A_423 = tpu.vector_load %arg19[%swap3A_422] {strides = array<i32>} : memref<128xi32, #tpu.memory_space<vmem>>, vector<16xi32>,
    tpu.vector_store %arg19[%swap3A_422], %add3A_421 {strides = array<i32>} : memref<128xi32, #tpu.memory_space<vmem>>, vector<16xi32>,
    "tpu.region"() ({
      %run_scoped3A = tpu.sem_alloc : memref<!tpu.dma_semaphore, #tpu.memory_space<semaphore_mem>>
      %dma_start3A_424 = arith.constant 0 : i32
      %dma_start3A_425 = tpu.memref_slice %arg8[%add3A, %dma_start3A_424] : memref<32x128xi32, #tpu.memory_space<hbm>> -> memref<1x128xi32, #tpu.memory_space<hbm>>
      %dma_start3A_426 = tpu.memref_squeeze %dma_start3A_425 : memref<1x128xi32, #tpu.memory_space<hbm>> -> memref<128xi32, #tpu.memory_space<hbm>>
      %dma_start3A_427 = arith.constant 0 : i32
      %dma_start3A_428 = tpu.memref_slice %arg8[%add3A, %dma_start3A_427] : memref<32x128xi32, #tpu.memory_space<hbm>> -> memref<1x128xi32, #tpu.memory_space<hbm>>
      %dma_start3A_429 = tpu.memref_squeeze %dma_start3A_428 : memref<1x128xi32, #tpu.memory_space<hbm>> -> memref<128xi32, #tpu.memory_space<hbm>>
      tpu.enqueue_dma source(%arg19 : memref<128xi32, #tpu.memory_space<vmem>>) target(%dma_start3A_429 : memref<128xi32, #tpu.memory_space<hbm>>) target_semaphore(%run_scoped3A : memref<!tpu.dma_semaphore, #tpu.memory_space<semaphore_mem>>)
      %dma_wait3A_430 = arith.constant 0 : i32
      %dma_wait3A_431 = tpu.memref_slice %arg8[%add3A, %dma_wait3A_430] : memref<32x128xi32, #tpu.memory_space<hbm>> -> memref<1x128xi32, #tpu.memory_space<hbm>>
      %dma_wait3A_432 = tpu.memref_squeeze %dma_wait3A_431 : memref<1x128xi32, #tpu.memory_space<hbm>> -> memref<128xi32, #tpu.memory_space<hbm>>
      %dma_wait3A_433 = arith.constant 0 : i32
      %dma_wait3A_434 = tpu.memref_slice %arg8[%add3A, %dma_wait3A_433] : memref<32x128xi32, #tpu.memory_space<hbm>> -> memref<1x128xi32, #tpu.memory_space<hbm>>
      %dma_wait3A_435 = tpu.memref_squeeze %dma_wait3A_434 : memref<1x128xi32, #tpu.memory_space<hbm>> -> memref<128xi32, #tpu.memory_space<hbm>>
      tpu.wait_dma2 semaphore(%run_scoped3A : memref<!tpu.dma_semaphore, #tpu.memory_space<semaphore_mem>>) src(%arg19 : memref<128xi32, #tpu.memory_space<vmem>>) dst(%dma_wait3A_435 : memref<128xi32, #tpu.memory_space<hbm>>)
      tpu.yield
    }) : () -> ()
    return
  }
}

</mosaic_0001>

<sc_bundles>
// kernel: kernel.3.cloned.1.call-start
scs
__scs_entry_jumppad:
0x0: {  	(pc) =	sbr.rel $0x88, $3  }
0x1: {  	(tag) =	ssettag $0x0;
	lr =	simm.s32 $0x1  }
0x2: {  	[smem:$0x3F9F] =	sst lr;
	_ =	strace $0xD0000000  }
0x3: {  	_ = 	snop  }
0x4: {  	_ = 	snop  }
0x5: {  	_ = 	snop  }
0x6: {  	_ = 	snop  }
0x7: {  	_ = 	snop  }
__scs_overlays_trampoline_lowered:
0x8: {  	[smem:$0x3FAE] =	sst s0  }
0x9: {  	[smem:$0x3FAF] =	sst s1  }
0xa: {  	[smem:$0x3FB0] =	sst s2  }
0xb: {  	[smem:$0x3FB1] =	sst s3  }
0xc: {  	[smem:$0x3FB2] =	sst s4  }
0xd: {  	[smem:$0x3FB3] =	sst s5  }
0xe: {  	[smem:$0x3FB4] =	sst s6  }
0xf: {  	[smem:$0x3FB5] =	sst s7  }
0x10: {  	[smem:$0x3FB6] =	sst s8  }
0x11: {  	[smem:$0x3FB7] =	sst s9;
	s0 =	simm.s32 @!p0 $0x0  }
0x12: {  	s1 =	sld [smem:$0x3F9D];
	s0 =	simm.s32 @p0 $0x1  }
0x13: {  	[smem:$0x3FB8] =	sst s0;
	s0 =	simm.s32 @!p1 $0x0  }
0x14: {  	s2 =	sld [smem:$0x3F9C];
	s0 =	simm.s32 @p1 $0x1  }
0x15: {  	[smem:$0x3FB9] =	sst s0;
	s0 =	simm.s32 @!p2 $0x0  }
0x16: {  	s3 =	sld [smem:$0x3FDB];
	s0 =	simm.s32 @p2 $0x1  }
0x17: {  	s4 =	simm.s32 $0x1BF5;
	[smem:$0x3FBB] =	sst s0  }
0x18: {  	s0 =	sld [smem:$0x3F9E];
	_ =	swait.ge [sflag:s4], $0x0  }
0x19: {  	s7 =	sld [smem:$0x3F9F]  }
0x1a: {  	s8 =	sadd.s32 $0xFFFFE003, lr  }
0x1b: {  	s9 =	sadd.s32 $0xFFFFFEF7, lr;
	s5 =	simm.s32 $0xFFFFFFFF;
	p2 =	slt.u32 s8, $0xFFFFF086  }
0x1c: {  	p1 =	slt.u32 s9, $0xF7A;
	s5 =	simm.s32 @!p2 $0x0  }
0x1d: {  	s5 =	simm.s32 @p1 $0x1;
	p0 =	seq.s32 s7, s2  }
0x1e: {  	s7 =	smul.u32 @!p0 $0xF7A, s2;
	p2 =	seq.s32 @!p0 s5, $0x0  }
0x1f: {  	s9 =	smul.u32 $0xF7A, s1;
	s8 =	simm.s32 @!p0 $0x1BF5;
	p2 =	por !p2, p0  }
0x20: {  	[sflag:s8] =	ssyncset.s32 @!p0 $0xFFFFF086;
	s6 =	sadd.s32 @!p0 s3, s7;
	s7 =	simm.s32 @!p0 $0x108  }
0x21: {  	s3 =	sadd.s32 s3, s9;
	s6 =	sadd.s32 @!p0 $0x88, s6;
	s7 =	simm.s32 @p2 $0x1082  }
0x22: {  	[simem:s7], [sflag:s8] =	dma.local @!p0 [hbm:s6], $0xF7A  }
0x23: {  	s9 =	sor.u32 $0xD0000000, s2;
	s6 =	simm.s32 $0x108;
	_ =	swait.ge @!p0 [sflag:s8], $0x0  }
0x24: {  	s3 =	sadd.s32 $0x88, s3;
	s6 =	simm.s32 @!p1 $0x1082;
	[sflag:s4] =	ssyncset.s32 $0xFFFFF086  }
0x25: {  	[simem:s6], [sflag:s4] =	dma.local [hbm:s3], $0xF7A  }
0x26: {  	[smem:$0x3F9F] =	sst s1;
	(tag) =	ssettag s2;
	_ =	strace s9  }
0x27: {  	s1 =	sld [smem:$0x3FAF]  }
0x28: {  	s2 =	sld [smem:$0x3FB0]  }
0x29: {  	s4 =	sld [smem:$0x3FB2]  }
0x2a: {  	p0 =	seq.s32 s5, $0x0;
	s5 =	sld [smem:$0x3FB3]  }
0x2b: {  	s6 =	sld [smem:$0x3FB4]  }
0x2c: {  	s7 =	sld [smem:$0x3FB5]  }
0x2d: {  	s3 =	simm.s32 $0x108;
	s8 =	sld [smem:$0x3FB6]  }
0x2e: {  	s3 =	simm.s32 @!p0 $0x1082;
	s9 =	sld [smem:$0x3FB7]  }
0x2f: {  	lr =	sadd.s32 s0, s3;
	s0 =	sld [smem:$0x3FAE]  }
0x30: {  	s3 =	sld [smem:$0x3FB1]  }
0x31: {  	[smem:$0x3FBA] =	sst s10  }
0x32: {  	s10 =	sld [smem:$0x3FB8];
	_ =	sdelay $0x3  }
0x33: {  	p0 =	seq.s32 s10, $0x1;
	s10 =	sld [smem:$0x3FBA];
	_ =	sdelay $0x3  }
0x34: {  	[smem:$0x3FBA] =	sst s10  }
0x35: {  	s10 =	sld [smem:$0x3FB9];
	_ =	sdelay $0x3  }
0x36: {  	p1 =	seq.s32 s10, $0x1;
	s10 =	sld [smem:$0x3FBA];
	_ =	sdelay $0x3  }
0x37: {  	[smem:$0x3FBA] =	sst s10  }
0x38: {  	s10 =	sld [smem:$0x3FBB]  }
0x39: {  	_ = 	snop;
	(pc) =	sbr.ind lr, $3  }
0x3a: {  	_ = 	snop  }
0x3b: {  	_ = 	snop  }
0x3c: {  	p2 =	seq.s32 s10, $0x1;
	s10 =	sld [smem:$0x3FBA]  }
0x3d: {  	_ =	shalt  }
0x3e: {  	_ =	shalt  }
0x3f: {  	_ =	shalt  }
0x40: {  	_ =	shalt  }
0x41: {  	_ =	shalt  }
0x42: {  	_ =	shalt  }
0x43: {  	_ =	shalt  }
0x44: {  	_ =	shalt  }
0x45: {  	_ =	shalt  }
0x46: {  	_ =	shalt  }
0x47: {  	_ =	shalt  }
0x48: {  	_ =	shalt  }
0x49: {  	_ =	shalt  }
0x4a: {  	_ =	shalt  }
0x4b: {  	_ =	shalt  }
0x4c: {  	_ =	shalt  }
0x4d: {  	_ =	shalt  }
0x4e: {  	_ =	shalt  }
0x4f: {  	_ =	shalt  }
0x50: {  	_ =	shalt  }
0x51: {  	_ =	shalt  }
0x52: {  	_ =	shalt  }
0x53: {  	_ =	shalt  }
0x54: {  	_ =	shalt  }
0x55: {  	_ =	shalt  }
0x56: {  	_ =	shalt  }
0x57: {  	_ =	shalt  }
0x58: {  	_ =	shalt  }
0x59: {  	_ =	shalt  }
0x5a: {  	_ =	shalt  }
0x5b: {  	_ =	shalt  }
0x5c: {  	_ =	shalt  }
0x5d: {  	_ =	shalt  }
0x5e: {  	_ =	shalt  }
0x5f: {  	_ =	shalt  }
0x60: {  	_ =	shalt  }
0x61: {  	_ =	shalt  }
0x62: {  	_ =	shalt  }
0x63: {  	_ =	shalt  }
0x64: {  	_ =	shalt  }
0x65: {  	_ =	shalt  }
0x66: {  	_ =	shalt  }
0x67: {  	_ =	shalt  }
0x68: {  	_ =	shalt  }
0x69: {  	_ =	shalt  }
0x6a: {  	_ =	shalt  }
0x6b: {  	_ =	shalt  }
0x6c: {  	_ =	shalt  }
0x6d: {  	_ =	shalt  }
0x6e: {  	_ =	shalt  }
0x6f: {  	_ =	shalt  }
0x70: {  	_ =	shalt  }
0x71: {  	_ =	shalt  }
0x72: {  	_ =	shalt  }
0x73: {  	_ =	shalt  }
0x74: {  	_ =	shalt  }
0x75: {  	_ =	shalt  }
0x76: {  	_ =	shalt  }
0x77: {  	_ =	shalt  }
0x78: {  	_ =	shalt  }
0x79: {  	_ =	shalt  }
0x7a: {  	_ =	shalt  }
0x7b: {  	_ =	shalt  }
0x7c: {  	_ =	shalt  }
0x7d: {  	_ =	shalt  }
0x7e: {  	_ =	shalt  }
0x7f: {  	_ =	shalt  }
0x80: {  	_ =	shalt  }
0x81: {  	_ =	shalt  }
0x82: {  	_ =	shalt  }
0x83: {  	_ =	shalt  }
0x84: {  	_ =	shalt  }
0x85: {  	_ =	shalt  }
0x86: {  	_ =	shalt  }
0x87: {  	_ =	shalt  }
.Lfunc_end0:
.L_simem_size_0:
called_computation.2_lowered:
.L_overlay_start_0:
0x88: {  	s2 =	sld [smem:$0x3FD9]  }
0x89: {  	s3 =	sld [smem:$0x3FFE];
	_ =	sdelay $0x1  }
0x8a: {  	s1 =	srdreg.scid  }
0x8b: {  	s0 =	sand.u32 $0x1, s1  }
0x8c: {  	s14 =	sshll.u32 s0, $0xA;
	s2 =	sadd.s32 s3, s2  }
0x8d: {  	s2 =	sadd.s32 s2, s14  }
0x8e: {  	[smem:$0x3FC6] =	sst s2  }
0x8f: {  	_ = 	snop  }
0x90: {  	s2 =	sld [smem:$0x3FD0];
	_ =	sdelay $0x2  }
0x91: {  	s15 =	simm.s32 $0xB;
	s4 =	simm.s32 $0x10  }
0x92: {  	[smem:s4], [sflag:s15] =	dma.local [hbm:s2], $0x1  }
0x93: {  	_ =	swait.eq [sflag:s15], $0x1  }
0x94: {  	s16 =	sld [smem:$0x10];
	[sflag:s15] =	ssyncset.done $0x0  }
0x95: {  	s17 =	sld [smem:$0x11];
	[sflag:s15] =	ssyncadd.s32 $0xFFFFFFFF  }
0x96: {  	s18 =	sld [smem:$0x12];
	(tm) =	ssettm $0x1  }
0x97: {  	s5 =	sld [smem:$0x3FFB];
	_ =	sdelay $0x3  }
0x98: {  	_ =	strace s5  }
0x99: {  	s5 =	sld [smem:$0x3FFC];
	_ =	sdelay $0x3  }
0x9a: {  	_ =	strace s5  }
0x9b: {  	s5 =	sld [smem:$0x3FFD];
	_ =	sdelay $0x3  }
0x9c: {  	_ =	strace s5  }
0x9d: {  	_ =	strace $0x8FFFFFFF  }
0x9e: {  	s19 =	sld [smem:$0x3FDB];
	_ =	sdelay $0x1  }
0x9f: {  	s6 =	simm.s32 $_scs_section_size  }
0xa0: {  	s7 =	simm.s32 $_size__tile_overlayer_lowered;
	s8 =	simm.s32 $_tile_overlayer_lowered  }
0xa1: {  	s22 =	simm.s32 $0x1BFF;
	s21 =	sshll.u32 s8, $0x1;
	s5 =	sadd.s32 s6, s19  }
0xa2: {  	s9 =	simm.s32 $0x0;
	s20 =	sshll.u32 s7, $0x1;
	s7 =	sadd.s32 s21, s5  }
0xa3: {  	[timem:s9], [sflag:s22] =	dma.local [hbm:s7], s20  }
0xa4: {  	_ =	swait.ge [sflag:s22], s20  }
0xa5: {  	s6 =	ssub.s32 $0x0, s20;
	[sflag:s22] =	ssyncset.done $0x0  }
0xa6: {  	[sflag:s22] =	ssyncadd.s32 s6;
	_ =	sdelay $0x1  }
0xa7: {  	s23 =	simm.s32 $0x1B8B  }
0xa8: {  	_ =	swait.ge [sflag:s23], $0x1  }
0xa9: {  	[sflag:s23] =	ssyncset.done $0x0  }
0xaa: {  	s25 =	simm.s32 $0x1B8E;
	s24 =	sld [smem:$0x3FFE];
	[sflag:s23] =	ssyncadd.s32 $0xFFFFFFFF  }
0xab: {  	s26 =	simm.s32 $execute0_lowered;
	[smem:$0x3FD2] =	sst s25  }
0xac: {  	s7 =	sshll.u32 s26, $0x1;
	_ =	strace $0x80000046;
	[dreg:$0x1] =	wrdreg $0xFFFFFFFF  }
0xad: {  	s28 =	simm.s32 $_size_execute0_lowered;
	s5 =	sadd.s32 s5, s7;
	[dreg:$0x0] =	wrdreg $0x0  }
0xae: {  	s7 =	sshll.u32 s28, $0x1;
	[dreg:$0x2] =	wrdreg s5  }
0xaf: {  	[dreg:$0x3] =	wrdreg s7  }
0xb0: {  	[dreg:$0x4] =	wrdreg $0xC0  }
0xb1: {  	_ =	task [dreg:s9], $0x5FFFF  }
0xb2: {  	[dreg:$0x1] =	wrdreg $0xFFFFFFFF  }
0xb3: {  	[dreg:$0x0] =	wrdreg $0x60  }
0xb4: {  	[dreg:$0x2] =	wrdreg s17  }
0xb5: {  	[dreg:$0x3] =	wrdreg s24  }
0xb6: {  	[dreg:$0x4] =	wrdreg s18  }
0xb7: {  	[dreg:$0x5] =	wrdreg s16  }
0xb8: {  	[dreg:$0x6] =	wrdreg $0x9  }
0xb9: {  	_ =	task.clear_ibuf [dreg:s9], $0x7FFFF;
	_ =	strace $0x90000046  }
0xba: {  	s29 =	simm.s32 $0x9;
	_ =	strace $0x80000048  }
0xbb: {  	_ =	swait.ge [sflag:s29], $0x1  }
0xbc: {  	[sflag:s29] =	ssyncadd.s32 $0xFFFFFFFF  }
0xbd: {  	_ =	strace $0x90000048  }
0xbe: {  	_ =	sfence  }
0xbf: {  	s30 =	sld [smem:$0x0];
	_ =	sdelay $0x2  }
0xc0: {  	s31 =	sshll.u32 s1, $0xD;
	s1 =	sshrl.u32 s1, $0x2  }
0xc1: {  	s3 =	sand.u32 $0x4000, s31;
	s1 =	sadd.s32 s1, s30  }
0xc2: {  	s0 =	sor.u32 s3, s0;
	s1 =	sshll.u32 s1, $0x11  }
0xc3: {  	s0 =	sor.u32 s1, s0  }
0xc4: {  	s0 =	sadd.s32 $0x8F2B, s0  }
0xc5: {  	[sflag:s0] =	ssyncadd.remote.s32 $0x1  }
0xc6: {  	_ =	sfence.sel $0xFFFF  }
0xc7: {  	[dreg:$0x0] =	wrdreg $0xFFFFFFFF;
	(pc) =	sbr.abs _section_cstart, $3  }
0xc8: {  	[dreg:$0x1] =	wrdreg $0xFFFFFFFF  }
0xc9: {  	_ =	task.clear_ibuf [dreg:s9], $0x2FFFF;
	_ =	strace $0x9FFFFFFF  }
0xca: {  	(tm) =	ssettm $0x7FFFFFFF  }
0xcb: {  	_ =	shalt  }
tec
execute0_lowered:
.L_overlay_start_1:
0x0: {  	(tag) =	ssettag $0x1  }
0x1: {  	s1 =	rddreg [dreg:$0x0]  }
0x2: {  	s0 =	rddreg [dreg:$0x1]  }
0x3: {  	s4 =	rddreg [dreg:$0x3]  }
0x4: {  	s5 =	simm.s32 $0x0;
	s2 =	srdreg.scid;
	s3 =	stileid.u32  }
0x5: {  	s13 =	simm.s32 $0x12C00;
	s14 =	simm.s32 $0x7;
	s15 =	simm.s32 $0x12C90  }
0x6: {  	s17 =	simm.s32 $0x3200;
	s18 =	simm.s32 $0x1;
	s19 =	simm.s32 $0x12D30  }
0x7: {  	s20 =	simm.s32 $0x6400;
	s21 =	simm.s32 $0xC800;
	s22 =	simm.s32 $0x2  }
0x8: {  	s23 =	simm.s32 $0x4;
	s24 =	simm.s32 $0x6;
	s28 =	simm.s32 $0x3  }
0x9: {  	s29 =	simm.s32 $0x5;
	s31 =	simm.s32 $0x0;
	[smem:$0x7FF] =	sst s5  }
0xa: {  	s2 =	sand.u32 $0x1, s2;
	s3 =	sshll.u32 s3, $0x1;
	s6 =	sadd.s32 $0x1000, s0  }
0xb: {  	s25 =	sadd.s32 $0x1200, s0;
	_ =	strace $0x80000047;
	[dreg:$0x5] =	wrdreg s6  }
0xc: {  	s9 =	sadd.s32 $0x1400, s0;
	s3 =	sor.u32 s2, s3;
	[dreg:$0x6] =	wrdreg s25  }
0xd: {  	s2 =	ssub.s32 $0x2, s2;
	s8 =	smul.u32 $0x64000, s3;
	s3 =	sshll.u32 s3, $0x4  }
0xe: {  	s25 =	simm.s32 $0x9600;
	s26 =	sshrl.u32 s2, $0x1;
	s0 =	sadd.s32 s3, s0  }
0xf: {  	v1 =	vlaneseq.u32;
	s2 =	ssub.s32 s2, s26;
	s26 =	simm.s32 $0xFA00;
	s30 =	sshrl.u32 s8, $0x3  }
0x10: {  	v0 =	vimm.s32 $0x0;
	v2 =	vimm.s32 $0x1;
	v1 =	vmul.u32 $0x80, v1;
	s11 =	sadd.s32 $0x191400, s0;
	s12 =	smax.u32 s2, $0x1;
	s10 =	sadd.s32 s1, s30  }
.LBB2_1:
0x11: {  	s0 =	rddreg [dreg:$0x5]  }
0x12: {  	[tilespmem:s13], [sflag:$0x7] =	stream.linear.gather [hbm4b:s0+s5], $0x90, $0x38;
	[tilespmem:$0x135B0] =	vst v63  }
0x13: {  	_ =	swait.ge [sflag:s14], $0x90  }
0x14: {  	[sflag:s14] =	ssyncset.done $0x0  }
0x15: {  	[sflag:s14] =	ssyncadd.s32 $0xFFFFFF70  }
0x16: {  	s16 =	rddreg [dreg:$0x2]  }
0x17: {  	[tilespmem:s15], [sflag:$0x7] =	stream.linear.gather [hbm4b:s16+s5], $0x80, $0x38;
	[tilespmem:$0x135B0] =	vst v63  }
0x18: {  	_ =	swait.ge [sflag:s14], $0x80  }
0x19: {  	[sflag:s14] =	ssyncset.done $0x0  }
0x1a: {  	s2 =	simm.s32 $0x12D10;
	s30 =	rddreg [dreg:$0x6];
	[sflag:s14] =	ssyncadd.s32 $0xFFFFFF80  }
0x1b: {  	[tilespmem:s2], [sflag:$0x7] =	stream.linear.gather [hbm4b:s30+s5], $0x20, $0x38;
	[tilespmem:$0x135B0] =	vst v63  }
0x1c: {  	_ =	swait.ge [sflag:s14], $0x20  }
0x1d: {  	[sflag:s14] =	ssyncset.done $0x0  }
0x1e: {  	[sflag:s14] =	ssyncadd.s32 $0xFFFFFFE0  }
0x1f: {  	v3 =	vld [tilespmem:$0x12D10]  }
0x20: {  	s0 =	simm.s32 $0x40;
	s2 =	simm.s32 $0x0;
	v4 =	vld [tilespmem:$0x12D20]  }
.LBB2_2:
0x21: {  	p0 =	sne.s32 s0, $0x1FC0;
	[tilespmem:s2+$0x12D30] =	vst v0;
	s2 =	smov.u32 s0;
	s0 =	sadd.s32 $0x40, s0  }
.Ltmp0:
0x22: {  	(pc) =	sbr.rel @p0 .LBB2_2-.Ltmp0, $2  }
0x23: {  	_ =	sdelay $0x2  }
0x24: {  	s2 =	sshra.s32 s2, $0x2  }
0x25: {  	[tilespmem:s2+$0x12D30] =	vst v0;
	s0 =	simm.s32 $0x0  }
0x26: {  	[tilespmem:s0], [sflag:$0x1] =	stream.linear.gather [hbm4b:s10+s0], $0x3200, $0x38;
	[tilespmem:$0x135B0] =	vst v63  }
.LBB2_4:
0x27: {  	s2 =	smul.u32 $0x6400, s0;
	_ =	sdelay $0x1  }
0x28: {  	s2 =	sadd.s32 s8, s2  }
0x29: {  	s2 =	sshrl.u32 s2, $0x3  }
0x2a: {  	s3 =	sadd.s32 $0x640, s2  }
0x2b: {  	s6 =	sadd.s32 s1, s3  }
0x2c: {  	[tilespmem:s17], [sflag:$0x2] =	stream.linear.gather [hbm4b:s6+s5], $0x3200, $0x38;
	[tilespmem:$0x135B0] =	vst v63  }
0x2d: {  	_ =	swait.ge [sflag:s18], $0x3200  }
0x2e: {  	p0 =	seq.s32 s0, $0x0;
	[sflag:s18] =	ssyncset.done $0x0  }
0x2f: {  	s6 =	simm.s32 @!p0 $0x3;
	[sflag:s18] =	ssyncadd.s32 $0xFFFFCE00  }
0x30: {  	_ =	swait.ge @!p0 [sflag:s6], $0x3200  }
0x31: {  	[sflag:s6] =	ssyncset.done @!p0 $0x0  }
0x32: {  	[sflag:s6] =	ssyncadd.s32 @!p0 $0xFFFFCE00;
	s6 =	simm.s32 @!p0 $0x5  }
0x33: {  	_ =	swait.ge @!p0 [sflag:s6], $0x3200  }
0x34: {  	[sflag:s6] =	ssyncset.done @!p0 $0x0  }
0x35: {  	s7 =	simm.s32 $0x20;
	[sflag:s6] =	ssyncadd.s32 @!p0 $0xFFFFCE00  }
0x36: {  	v5 =	vld [tilespmem:s7+$0x10];
	_ =	sdelay $0x4  }
0x37: {  	v6 =	vld [tilespmem:s7+$0xFFFFFFF0];
	vm0 =	vlt.f32 v5, $5.000000000e+00;
	vm1 =	vgt.f32 v5, $5.000000000e+00  }
0x38: {  	v7 =	vld [tilespmem:s7+$0xFFFFFFE0];
	vm0 =	vmor vm1, vm0  }
0x39: {  	v8 =	vnsel vm0, $0x0, v5  }
0x3a: {  	v9 =	vmul.f32 v8, v3;
	_ =	sdelay $0x1  }
0x3b: {  	v5 =	vld [tilespmem:s7+$0x0];
	v9 =	vadd.f32 v9, v4  }
0x3c: {  	vm2 =	vlt.f32 v7, $5.000000000e+00;
	vm3 =	vgt.f32 v7, $5.000000000e+00;
	vm1 =	vgt.f32 v6, $5.000000000e+00  }
0x3d: {  	vm2 =	vmor vm3, vm2;
	vm0 =	vlt.f32 v6, $5.000000000e+00;
	v9 =	vtrunc.f32 v9  }
0x3e: {  	v10 =	vnsel vm2, $0x0, v7;
	vm0 =	vmor vm1, vm0;
	v9 =	vcvt.f32.s32 v9  }
0x3f: {  	v11 =	vnsel vm0, $0x0, v6;
	v6 =	vmul.f32 v10, v3  }
0x40: {  	vm4 =	vlt.f32 v5, $5.000000000e+00;
	vm5 =	vgt.f32 v5, $5.000000000e+00;
	vm2 =	vgt.s32 v9, $0x0  }
0x41: {  	s16 =	simm.s32 $0x60;
	v6 =	vadd.f32 v6, v4;
	vm1 =	vmor vm5, vm4;
	v7 =	vnsel vm2, $0x0, v9  }
0x42: {  	v16 =	vld [tilespmem:s16+$0xFFFFFFE0];
	v12 =	vnsel vm1, $0x0, v5;
	v5 =	vmul.f32 v11, v3;
	v9 =	vmin.u32 v7, $0x80  }
0x43: {  	v15 =	vld [tilespmem:s16+$0xFFFFFFF0]  }
0x44: {  	v6 =	vtrunc.f32 v6;
	v5 =	vadd.f32 v5, v4;
	v7 =	vmul.f32 v12, v3  }
0x45: {  	v14 =	vld [tilespmem:s16+$0x10];
	v6 =	vcvt.f32.s32 v6  }
0x46: {  	v5 =	vtrunc.f32 v5;
	v7 =	vadd.f32 v7, v4  }
0x47: {  	vm14 =	vgt.f32 v16, $5.000000000e+00;
	vm0 =	vgt.s32 v6, $0x0;
	v5 =	vcvt.f32.s32 v5;
	v13 =	vld.idx.msk [tilespmem:v9+s13+$0x0], $0xffff  }
0x48: {  	vm3 =	vlt.f32 v15, $5.000000000e+00;
	v6 =	vnsel vm0, $0x0, v6;
	v7 =	vtrunc.f32 v7  }
0x49: {  	v17 =	vmin.u32 v6, $0x80;
	v6 =	vld [tilespmem:s16+$0x0];
	vm1 =	vgt.s32 v5, $0x0;
	v7 =	vcvt.f32.s32 v7  }
0x4a: {  	vm0 =	vlt.f32 v14, $5.000000000e+00;
	v5 =	vnsel vm1, $0x0, v5;
	vm1 =	vgt.f32 v14, $5.000000000e+00  }
0x4b: {  	v18 =	vmin.u32 v5, $0x80;
	vm0 =	vmor vm1, vm0;
	vm2 =	vgt.s32 v7, $0x0  }
0x4c: {  	vm1 =	vgt.f32 v15, $5.000000000e+00;
	v7 =	vnsel vm2, $0x0, v7;
	vm2 =	vle.f32 v8, v13  }
0x4d: {  	v5 =	vmin.u32 v7, $0x80;
	v7 =	vnsel vm0, $0x0, v14;
	v8 =	vsel vm2, $0xFFFFFFFF, v0  }
0x4e: {  	vm15 =	vlt.f32 v6, $5.000000000e+00;
	v8 =	vadd.s32 v8, v9;
	v9 =	vmul.f32 v7, v3  }
0x4f: {  	vm1 =	vmor vm1, vm3;
	vm0 =	vlt.f32 v16, $5.000000000e+00;
	v13 =	vld.idx.msk [tilespmem:v17+s13+$0x0], $0xffff;
	vm2 =	vgt.s32 v8, $0x0  }
0x50: {  	vm0 =	vmor vm14, vm0;
	v14 =	vld.idx.msk [tilespmem:v18+s13+$0x0], $0xffff;
	v8 =	vnsel vm2, $0x0, v8;
	v19 =	vadd.f32 v9, v4  }
0x51: {  	vm2 =	vgt.f32 v6, $5.000000000e+00;
	v9 =	vnsel vm0, $0x0, v16;
	v20 =	vmin.u32 v8, $0x7F  }
0x52: {  	vm2 =	vmor vm2, vm15;
	v8 =	vnsel vm1, $0x0, v15;
	v15 =	vtrunc.f32 v19  }
0x53: {  	v21 =	vld.idx.msk [tilespmem:v5+s13+$0x0], $0xffff;
	v16 =	vmul.f32 v9, v3;
	v6 =	vnsel vm2, $0x0, v6;
	v15 =	vcvt.f32.s32 v15  }
0x54: {  	vm0 =	vle.f32 v10, v13;
	v19 =	vmul.f32 v8, v3;
	v22 =	vmul.f32 v6, v3  }
0x55: {  	vm2 =	vle.f32 v11, v14;
	v10 =	vadd.f32 v16, v4;
	vm1 =	vgt.s32 v15, $0x0  }
0x56: {  	v11 =	vadd.f32 v19, v4;
	v13 =	vadd.f32 v22, v4;
	v14 =	vnsel vm1, $0x0, v15  }
0x57: {  	v63 =	vsel vm2, $0xFFFFFFFF, v0;
	v16 =	vld.idx.msk [tilespmem:v20+s15+$0x0], $0xffff;
	v15 =	vtrunc.f32 v10;
	v10 =	vmin.u32 v14, $0x80  }
0x58: {  	vm1 =	vle.f32 v12, v21;
	v11 =	vtrunc.f32 v11;
	v12 =	vtrunc.f32 v13  }
0x59: {  	v13 =	vsel vm0, $0xFFFFFFFF, v0;
	v19 =	vcvt.f32.s32 v15;
	v62 =	vcvt.f32.s32 v11  }
0x5a: {  	s16 =	simm.s32 $0x6420;
	v14 =	vsel vm1, $0xFFFFFFFF, v0;
	v15 =	vcvt.f32.s32 v12;
	v11 =	vadd.s32 v13, v17  }
0x5b: {  	s30 =	simm.s32 $0xC820;
	[tilespmem:s16+$0x10] =	vst v20;
	v12 =	vadd.s32 v63, v18;
	vm0 =	vgt.s32 v19, $0x0;
	vm1 =	vgt.s32 v62, $0x0  }
0x5c: {  	s6 =	simm.s32 $0x4;
	s7 =	simm.s32 $0xA0;
	v17 =	vnsel vm1, $0x0, v62;
	[tilespmem:s30+$0x10] =	vst v16;
	v16 =	vnsel vm0, $0x0, v19;
	vm0 =	vgt.s32 v15, $0x0;
	v13 =	vld.idx.msk [tilespmem:v10+s13+$0x0], $0xffff  }
.LBB2_5:
0x5d: {  	v18 =	vld [tilespmem:s7+$0x10];
	s6 =	sadd.s32 $0x4, s6;
	v16 =	vmin.u32 v16, $0x80;
	v17 =	vmin.u32 v17, $0x80;
	v15 =	vnsel vm0, $0x0, v15  }
0x5e: {  	vm0 =	vgt.s32 v11, $0x0;
	v14 =	vadd.s32 v14, v5;
	v19 =	vld [tilespmem:s7+$0xFFFFFFF0];
	p1 =	slt.u32 s6, $0x31C;
	v5 =	vmin.u32 v15, $0x80  }
0x5f: {  	v11 =	vnsel vm0, $0x0, v11;
	vm0 =	vgt.s32 v12, $0x0;
	vm1 =	vgt.s32 v14, $0x0;
	v15 =	vld [tilespmem:s7+$0x0]  }
0x60: {  	v11 =	vmin.u32 v11, $0x7F;
	v12 =	vnsel vm0, $0x0, v12;
	v14 =	vnsel vm1, $0x0, v14;
	v20 =	vld [tilespmem:s7+$0xFFFFFFE0]  }
0x61: {  	v12 =	vmin.u32 v12, $0x7F;
	v14 =	vmin.u32 v14, $0x7F  }
0x62: {  	vm2 =	vle.f32 v7, v13;
	vm0 =	vlt.f32 v18, $5.000000000e+00;
	vm1 =	vgt.f32 v18, $5.000000000e+00;
	v21 =	vld.idx.msk [tilespmem:v16+s13+$0x0], $0xffff  }
0x63: {  	v22 =	vsel vm2, $0xFFFFFFFF, v0;
	vm3 =	vlt.f32 v19, $5.000000000e+00;
	vm0 =	vmor vm1, vm0;
	v13 =	vld.idx.msk [tilespmem:v17+s13+$0x0], $0xffff  }
0x64: {  	vm1 =	vgt.f32 v19, $5.000000000e+00;
	v10 =	vadd.s32 v22, v10;
	v7 =	vnsel vm0, $0x0, v18;
	v18 =	vld.idx.msk [tilespmem:v5+s13+$0x0], $0xffff  }
0x65: {  	vm2 =	vgt.s32 v10, $0x0;
	vm0 =	vlt.f32 v20, $5.000000000e+00;
	v22 =	vmul.f32 v7, v3;
	v23 =	vld.idx.msk [tilespmem:v11+s15+$0x0], $0xffff;
	[tilespmem:s16+$0xFFFFFFE0] =	vst v11  }
0x66: {  	vm5 =	vlt.f32 v15, $5.000000000e+00;
	vm4 =	vgt.f32 v20, $5.000000000e+00;
	v10 =	vnsel vm2, $0x0, v10;
	v11 =	vld.idx.msk [tilespmem:v12+s15+$0x0], $0xffff;
	[tilespmem:s16+$0xFFFFFFF0] =	vst v12  }
0x67: {  	vm2 =	vgt.f32 v15, $5.000000000e+00;
	v12 =	vadd.f32 v22, v4;
	v22 =	vmin.u32 v10, $0x7F;
	v10 =	vld.idx.msk [tilespmem:v14+s15+$0x0], $0xffff;
	[tilespmem:s16+$0x0] =	vst v14  }
0x68: {  	vm1 =	vmor vm1, vm3;
	vm0 =	vmor vm4, vm0;
	vm2 =	vmor vm2, vm5  }
0x69: {  	v19 =	vnsel vm1, $0x0, v19;
	v14 =	vnsel vm0, $0x0, v20;
	v12 =	vtrunc.f32 v12  }
0x6a: {  	v15 =	vnsel vm2, $0x0, v15;
	v20 =	vmul.f32 v14, v3;
	v12 =	vcvt.f32.s32 v12  }
0x6b: {  	v24 =	vmul.f32 v19, v3;
	vm0 =	vle.f32 v9, v21;
	v25 =	vmul.f32 v15, v3;
	[tilespmem:s30+$0xFFFFFFE0] =	vst v23  }
0x6c: {  	vm2 =	vle.f32 v8, v13;
	v20 =	vadd.f32 v20, v4;
	vm1 =	vgt.s32 v12, $0x0;
	v13 =	vld.idx.msk [tilespmem:v22+s15+$0x0], $0xffff;
	[tilespmem:s30+$0xFFFFFFF0] =	vst v11  }
0x6d: {  	v9 =	vmovc v14;
	v21 =	vadd.f32 v25, v4;
	v11 =	vadd.f32 v24, v4;
	v23 =	vnsel vm1, $0x0, v12;
	[tilespmem:s30+$0x0] =	vst v10  }
0x6e: {  	v8 =	vmovc v19;
	v12 =	vtrunc.f32 v20;
	vm1 =	vle.f32 v6, v18;
	v6 =	vmovc v15;
	v10 =	vmin.u32 v23, $0x80  }
.Ltmp1:
0x6f: {  	v14 =	vtrunc.f32 v21;
	v18 =	vsel vm0, $0xFFFFFFFF, v0;
	v11 =	vtrunc.f32 v11;
	(pc) =	sbr.rel @p1 .LBB2_5-.Ltmp1, $4  }
0x70: {  	s16 =	sadd.s32 $0x40, s16;
	v19 =	vcvt.f32.s32 v12;
	v12 =	vsel vm2, $0xFFFFFFFF, v0;
	v20 =	vcvt.f32.s32 v11  }
0x71: {  	v15 =	vcvt.f32.s32 v14;
	s30 =	sadd.s32 $0x40, s30;
	v14 =	vsel vm1, $0xFFFFFFFF, v0;
	v11 =	vadd.s32 v18, v16;
	[tilespmem:s16+$0x10] =	vst v22  }
0x72: {  	v12 =	vadd.s32 v12, v17;
	vm0 =	vgt.s32 v19, $0x0;
	vm1 =	vgt.s32 v20, $0x0;
	[tilespmem:s30+$0x10] =	vst v13  }
0x73: {  	s7 =	sadd.s32 $0x40, s7;
	v16 =	vnsel vm0, $0x0, v19;
	vm0 =	vgt.s32 v15, $0x0;
	v17 =	vnsel vm1, $0x0, v20;
	v13 =	vld.idx.msk [tilespmem:v10+s13+$0x0], $0xffff  }
0x74: {  	v16 =	vmin.u32 v16, $0x80  }
0x75: {  	v17 =	vmin.u32 v17, $0x80;
	v15 =	vnsel vm0, $0x0, v15  }
0x76: {  	v15 =	vmin.u32 v15, $0x80;
	_ =	sdelay $0x2  }
0x77: {  	vm7 =	vgt.s32 v11, $0x0;
	v5 =	vadd.s32 v14, v5;
	vm8 =	vgt.s32 v12, $0x0;
	v55 =	vld.idx.msk [tilespmem:v16+s13+$0x0], $0xffff  }
0x78: {  	v11 =	vnsel vm7, $0x0, v11;
	vm1 =	vgt.s32 v5, $0x0;
	vm2 =	vle.f32 v7, v13;
	v7 =	vld.idx.msk [tilespmem:v17+s13+$0x0], $0xffff  }
0x79: {  	v12 =	vnsel vm8, $0x0, v12;
	v11 =	vmin.u32 v11, $0x7F;
	v13 =	vsel vm2, $0xFFFFFFFF, v0;
	v18 =	vld.idx.msk [tilespmem:v15+s13+$0x0], $0xffff  }
0x7a: {  	v5 =	vnsel vm1, $0x0, v5;
	v12 =	vmin.u32 v12, $0x7F;
	v10 =	vadd.s32 v13, v10  }
0x7b: {  	v5 =	vmin.u32 v5, $0x7F;
	vm9 =	vgt.s32 v10, $0x0  }
0x7c: {  	v10 =	vnsel vm9, $0x0, v10;
	vm10 =	vle.f32 v9, v55  }
0x7d: {  	v56 =	vmin.u32 v10, $0x7F;
	vm11 =	vle.f32 v8, v7;
	v7 =	vsel vm10, $0xFFFFFFFF, v0  }
0x7e: {  	v57 =	vld.idx.msk [tilespmem:v11+s15+$0x0], $0xffff;
	vm12 =	vle.f32 v6, v18;
	v6 =	vsel vm11, $0xFFFFFFFF, v0;
	v7 =	vadd.s32 v7, v16  }
0x7f: {  	v58 =	vld.idx.msk [tilespmem:v12+s15+$0x0], $0xffff;
	v59 =	vsel vm12, $0xFFFFFFFF, v0;
	v6 =	vadd.s32 v6, v17;
	vm13 =	vgt.s32 v7, $0x0  }
0x80: {  	[tilespmem:s16+$0xFFFFFFE0] =	vst v11;
	v60 =	vld.idx.msk [tilespmem:v5+s15+$0x0], $0xffff;
	v13 =	vadd.s32 v59, v15;
	vm14 =	vgt.s32 v6, $0x0;
	v7 =	vnsel vm13, $0x0, v7  }
0x81: {  	[tilespmem:s16+$0xFFFFFFF0] =	vst v12;
	vm15 =	vgt.s32 v13, $0x0;
	v6 =	vnsel vm14, $0x0, v6;
	v7 =	vmin.u32 v7, $0x7F  }
0x82: {  	[tilespmem:s16+$0x0] =	vst v5;
	v5 =	vld.idx.msk [tilespmem:v56+s15+$0x0], $0xffff;
	v61 =	vnsel vm15, $0x0, v13;
	v6 =	vmin.u32 v6, $0x7F  }
0x83: {  	[tilespmem:s30+$0xFFFFFFE0] =	vst v57;
	v62 =	vmin.u32 v61, $0x7F  }
0x84: {  	[tilespmem:s30+$0xFFFFFFF0] =	vst v58  }
0x85: {  	s6 =	sadd.s32 $0x40, s16;
	[tilespmem:s30+$0x0] =	vst v60  }
0x86: {  	s30 =	sadd.s32 $0x40, s30;
	[tilespmem:s6+$0x10] =	vst v56;
	v63 =	vld.idx.msk [tilespmem:v7+s15+$0x0], $0xffff  }
0x87: {  	[tilespmem:s30+$0x10] =	vst v5;
	v5 =	vld.idx.msk [tilespmem:v6+s15+$0x0], $0xffff  }
0x88: {  	[tilespmem:s6+$0xFFFFFFE0] =	vst v7;
	v7 =	vld.idx.msk [tilespmem:v62+s15+$0x0], $0xffff  }
0x89: {  	[tilespmem:s6+$0xFFFFFFF0] =	vst v6  }
0x8a: {  	[tilespmem:s6+$0x0] =	vst v62  }
0x8b: {  	[tilespmem:s30+$0xFFFFFFE0] =	vst v63  }
0x8c: {  	[tilespmem:s30+$0xFFFFFFF0] =	vst v5  }
0x8d: {  	s7 =	simm.s32 $0x6440;
	s6 =	simm.s32 $0xFFFFFFF8;
	[tilespmem:s30+$0x0] =	vst v7  }
.LBB2_7:
0x8e: {  	v5 =	vld [tilespmem:s7+$0xFFFFFFC0];
	_ =	sdelay $0x4  }
0x8f: {  	v5 =	vadd.s32 v1, v5;
	_ =	sdelay $0x4  }
0x90: {  	[tilespmem:v5+s19+$0x0] =	vst.idx.add.s32.msk $0xffff, v2  }
0x91: {  	v5 =	vld [tilespmem:s7+$0xFFFFFFD0];
	_ =	sdelay $0x4  }
0x92: {  	v5 =	vadd.s32 v1, v5;
	_ =	sdelay $0x4  }
0x93: {  	[tilespmem:v5+s19+$0x0] =	vst.idx.add.s32.msk $0xffff, v2  }
0x94: {  	v5 =	vld [tilespmem:s7+$0xFFFFFFE0];
	_ =	sdelay $0x4  }
0x95: {  	v5 =	vadd.s32 v1, v5;
	_ =	sdelay $0x4  }
0x96: {  	[tilespmem:v5+s19+$0x0] =	vst.idx.add.s32.msk $0xffff, v2  }
0x97: {  	v5 =	vld [tilespmem:s7+$0xFFFFFFF0];
	_ =	sdelay $0x4  }
0x98: {  	v5 =	vadd.s32 v1, v5;
	_ =	sdelay $0x4  }
0x99: {  	[tilespmem:v5+s19+$0x0] =	vst.idx.add.s32.msk $0xffff, v2  }
0x9a: {  	v5 =	vld [tilespmem:s7+$0x0];
	_ =	sdelay $0x4  }
0x9b: {  	v5 =	vadd.s32 v1, v5;
	_ =	sdelay $0x4  }
0x9c: {  	[tilespmem:v5+s19+$0x0] =	vst.idx.add.s32.msk $0xffff, v2  }
0x9d: {  	v5 =	vld [tilespmem:s7+$0x10];
	_ =	sdelay $0x4  }
0x9e: {  	v5 =	vadd.s32 v1, v5;
	_ =	sdelay $0x4  }
0x9f: {  	[tilespmem:v5+s19+$0x0] =	vst.idx.add.s32.msk $0xffff, v2  }
0xa0: {  	v5 =	vld [tilespmem:s7+$0x20];
	_ =	sdelay $0x4  }
0xa1: {  	v5 =	vadd.s32 v1, v5;
	_ =	sdelay $0x4  }
0xa2: {  	[tilespmem:v5+s19+$0x0] =	vst.idx.add.s32.msk $0xffff, v2  }
0xa3: {  	v5 =	vld [tilespmem:s7+$0x30];
	_ =	sdelay $0x3  }
0xa4: {  	s6 =	sadd.s32 $0x8, s6  }
0xa5: {  	p1 =	slt.u32 s6, $0x318;
	v5 =	vadd.s32 v1, v5  }
.Ltmp2:
0xa6: {  	_ = 	snop;
	(pc) =	sbr.rel @p1 .LBB2_7-.Ltmp2, $2  }
0xa7: {  	_ =	sdelay $0x2  }
0xa8: {  	s7 =	sadd.s32 $0x80, s7;
	[tilespmem:v5+s19+$0x0] =	vst.idx.add.s32.msk $0xffff, v2  }
0xa9: {  	p1 =	sne.s32 s0, $0xF  }
.Ltmp3:
0xaa: {  	_ = 	snop;
	(pc) =	sbr.rel @p1 .LBB2_10-.Ltmp3, $4  }
0xab: {  	s6 =	sadd.s32 s4, s2  }
0xac: {  	[hbm4b:s6+s5] =	stream.linear.scatter [tilespmem:s20], [sflag:$0x3], $0x3200, $0x38;
	[tilespmem:$0x135B0] =	vst v63  }
0xad: {  	s30 =	sadd.s32 s9, s2  }
0xae: {  	[hbm4b:s30+s5] =	stream.linear.scatter [tilespmem:s21], [sflag:$0x5], $0x3200, $0x38;
	[tilespmem:$0x135B0] =	vst v63  }
.Ltmp4:
0xaf: {  	(pc) =	sbr.rel .LBB2_11-.Ltmp4, $4  }
0xb0: {  	_ = 	snop  }
0xb1: {  	_ =	swait.ge [sflag:s22], $0x3200  }
0xb2: {  	[sflag:s22] =	ssyncset.done $0x0  }
0xb3: {  	[sflag:s22] =	ssyncadd.s32 $0xFFFFCE00  }
.LBB2_10:
0xb4: {  	s2 =	sadd.s32 s1, s2  }
.Ltmp5:
0xb5: {  	s2 =	sadd.s32 $0xC80, s2;
	(pc) =	sbr.rel @p0 .LBB2_12-.Ltmp5, $4  }
0xb6: {  	[tilespmem:s5], [sflag:$0x1] =	stream.linear.gather [hbm4b:s2+s5], $0x3200, $0x38;
	[tilespmem:$0x135B0] =	vst v63  }
0xb7: {  	_ =	swait.ge [sflag:s22], $0x3200  }
0xb8: {  	[sflag:s22] =	ssyncset.done $0x0  }
0xb9: {  	[sflag:s22] =	ssyncadd.s32 $0xFFFFCE00  }
.LBB2_11:
0xba: {  	_ =	swait.ge [sflag:s23], $0x3200  }
0xbb: {  	[sflag:s23] =	ssyncset.done $0x0  }
0xbc: {  	[sflag:s23] =	ssyncadd.s32 $0xFFFFCE00  }
0xbd: {  	_ =	swait.ge [sflag:s24], $0x3200  }
0xbe: {  	[sflag:s24] =	ssyncset.done $0x0  }
0xbf: {  	[sflag:s24] =	ssyncadd.s32 $0xFFFFCE00  }
.LBB2_12:
0xc0: {  	s2 =	simm.s32 $0x3220  }
0xc1: {  	v5 =	vld [tilespmem:s2+$0x10];
	_ =	sdelay $0x4  }
0xc2: {  	v6 =	vld [tilespmem:s2+$0xFFFFFFF0];
	vm0 =	vlt.f32 v5, $5.000000000e+00;
	vm1 =	vgt.f32 v5, $5.000000000e+00  }
0xc3: {  	v7 =	vld [tilespmem:s2+$0xFFFFFFE0];
	vm0 =	vmor vm1, vm0  }
0xc4: {  	v8 =	vnsel vm0, $0x0, v5  }
0xc5: {  	v9 =	vmul.f32 v8, v3;
	_ =	sdelay $0x1  }
0xc6: {  	v5 =	vld [tilespmem:s2+$0x0];
	v9 =	vadd.f32 v9, v4  }
0xc7: {  	vm2 =	vlt.f32 v7, $5.000000000e+00;
	vm3 =	vgt.f32 v7, $5.000000000e+00;
	vm1 =	vgt.f32 v6, $5.000000000e+00  }
0xc8: {  	vm2 =	vmor vm3, vm2;
	vm0 =	vlt.f32 v6, $5.000000000e+00;
	v9 =	vtrunc.f32 v9  }
0xc9: {  	v10 =	vnsel vm2, $0x0, v7;
	vm0 =	vmor vm1, vm0;
	v9 =	vcvt.f32.s32 v9  }
0xca: {  	v11 =	vnsel vm0, $0x0, v6;
	v6 =	vmul.f32 v10, v3  }
0xcb: {  	vm4 =	vlt.f32 v5, $5.000000000e+00;
	vm5 =	vgt.f32 v5, $5.000000000e+00;
	vm2 =	vgt.s32 v9, $0x0  }
0xcc: {  	s30 =	simm.s32 $0x3260;
	v6 =	vadd.f32 v6, v4;
	vm1 =	vmor vm5, vm4;
	v7 =	vnsel vm2, $0x0, v9  }
0xcd: {  	v16 =	vld [tilespmem:s30+$0xFFFFFFE0];
	v12 =	vnsel vm1, $0x0, v5;
	v5 =	vmul.f32 v11, v3;
	v9 =	vmin.u32 v7, $0x80  }
0xce: {  	v15 =	vld [tilespmem:s30+$0xFFFFFFF0]  }
0xcf: {  	v6 =	vtrunc.f32 v6;
	v5 =	vadd.f32 v5, v4;
	v7 =	vmul.f32 v12, v3  }
0xd0: {  	v14 =	vld [tilespmem:s30+$0x10];
	v6 =	vcvt.f32.s32 v6  }
0xd1: {  	v5 =	vtrunc.f32 v5;
	v7 =	vadd.f32 v7, v4  }
0xd2: {  	vm14 =	vgt.f32 v16, $5.000000000e+00;
	vm0 =	vgt.s32 v6, $0x0;
	v5 =	vcvt.f32.s32 v5;
	v13 =	vld.idx.msk [tilespmem:v9+s13+$0x0], $0xffff  }
0xd3: {  	vm3 =	vlt.f32 v15, $5.000000000e+00;
	v6 =	vnsel vm0, $0x0, v6;
	v7 =	vtrunc.f32 v7  }
0xd4: {  	v17 =	vmin.u32 v6, $0x80;
	v6 =	vld [tilespmem:s30+$0x0];
	vm1 =	vgt.s32 v5, $0x0;
	v7 =	vcvt.f32.s32 v7  }
0xd5: {  	vm0 =	vlt.f32 v14, $5.000000000e+00;
	v5 =	vnsel vm1, $0x0, v5;
	vm1 =	vgt.f32 v14, $5.000000000e+00  }
0xd6: {  	v18 =	vmin.u32 v5, $0x80;
	vm0 =	vmor vm1, vm0;
	vm2 =	vgt.s32 v7, $0x0  }
0xd7: {  	vm1 =	vgt.f32 v15, $5.000000000e+00;
	v7 =	vnsel vm2, $0x0, v7;
	vm2 =	vle.f32 v8, v13  }
0xd8: {  	v5 =	vmin.u32 v7, $0x80;
	v7 =	vnsel vm0, $0x0, v14;
	v8 =	vsel vm2, $0xFFFFFFFF, v0  }
0xd9: {  	vm15 =	vlt.f32 v6, $5.000000000e+00;
	v8 =	vadd.s32 v8, v9;
	v9 =	vmul.f32 v7, v3  }
0xda: {  	vm1 =	vmor vm1, vm3;
	vm0 =	vlt.f32 v16, $5.000000000e+00;
	v13 =	vld.idx.msk [tilespmem:v17+s13+$0x0], $0xffff;
	vm2 =	vgt.s32 v8, $0x0  }
0xdb: {  	vm0 =	vmor vm14, vm0;
	v14 =	vld.idx.msk [tilespmem:v18+s13+$0x0], $0xffff;
	v8 =	vnsel vm2, $0x0, v8;
	v19 =	vadd.f32 v9, v4  }
0xdc: {  	vm2 =	vgt.f32 v6, $5.000000000e+00;
	v9 =	vnsel vm0, $0x0, v16;
	v20 =	vmin.u32 v8, $0x7F  }
0xdd: {  	vm2 =	vmor vm2, vm15;
	v8 =	vnsel vm1, $0x0, v15;
	v15 =	vtrunc.f32 v19  }
0xde: {  	v21 =	vld.idx.msk [tilespmem:v5+s13+$0x0], $0xffff;
	v16 =	vmul.f32 v9, v3;
	v6 =	vnsel vm2, $0x0, v6;
	v15 =	vcvt.f32.s32 v15  }
0xdf: {  	vm0 =	vle.f32 v10, v13;
	v19 =	vmul.f32 v8, v3;
	v22 =	vmul.f32 v6, v3  }
0xe0: {  	vm2 =	vle.f32 v11, v14;
	v10 =	vadd.f32 v16, v4;
	vm1 =	vgt.s32 v15, $0x0  }
0xe1: {  	v11 =	vadd.f32 v19, v4;
	v13 =	vadd.f32 v22, v4;
	v14 =	vnsel vm1, $0x0, v15  }
0xe2: {  	v63 =	vsel vm2, $0xFFFFFFFF, v0;
	v16 =	vld.idx.msk [tilespmem:v20+s15+$0x0], $0xffff;
	v15 =	vtrunc.f32 v10;
	v10 =	vmin.u32 v14, $0x80  }
0xe3: {  	vm1 =	vle.f32 v12, v21;
	v11 =	vtrunc.f32 v11;
	v12 =	vtrunc.f32 v13  }
0xe4: {  	v13 =	vsel vm0, $0xFFFFFFFF, v0;
	v14 =	vcvt.f32.s32 v15;
	v19 =	vcvt.f32.s32 v11  }
0xe5: {  	s2 =	simm.s32 $0x9620;
	v15 =	vcvt.f32.s32 v12;
	v11 =	vadd.s32 v13, v17;
	v13 =	vsel vm1, $0xFFFFFFFF, v0  }
0xe6: {  	s16 =	simm.s32 $0xFA20;
	[tilespmem:s2+$0x10] =	vst v20;
	v12 =	vadd.s32 v63, v18;
	vm0 =	vgt.s32 v14, $0x0;
	vm1 =	vgt.s32 v19, $0x0  }
0xe7: {  	s0 =	sadd.s32 $0x1, s0;
	s6 =	simm.s32 $0x4;
	s7 =	simm.s32 $0x32A0;
	v17 =	vnsel vm1, $0x0, v19;
	[tilespmem:s16+$0x10] =	vst v16;
	v16 =	vnsel vm0, $0x0, v14;
	vm0 =	vgt.s32 v15, $0x0;
	v14 =	vld.idx.msk [tilespmem:v10+s13+$0x0], $0xffff  }
.LBB2_13:
0xe8: {  	v18 =	vld [tilespmem:s7+$0x10];
	s6 =	sadd.s32 $0x4, s6;
	v16 =	vmin.u32 v16, $0x80;
	v17 =	vmin.u32 v17, $0x80;
	v15 =	vnsel vm0, $0x0, v15  }
0xe9: {  	vm0 =	vgt.s32 v11, $0x0;
	v13 =	vadd.s32 v13, v5;
	v19 =	vld [tilespmem:s7+$0xFFFFFFF0];
	p0 =	slt.u32 s6, $0x31C;
	v5 =	vmin.u32 v15, $0x80  }
0xea: {  	v11 =	vnsel vm0, $0x0, v11;
	vm0 =	vgt.s32 v12, $0x0;
	vm1 =	vgt.s32 v13, $0x0;
	v15 =	vld [tilespmem:s7+$0x0]  }
0xeb: {  	v11 =	vmin.u32 v11, $0x7F;
	v12 =	vnsel vm0, $0x0, v12;
	v13 =	vnsel vm1, $0x0, v13;
	v20 =	vld [tilespmem:s7+$0xFFFFFFE0]  }
0xec: {  	v12 =	vmin.u32 v12, $0x7F;
	v13 =	vmin.u32 v13, $0x7F  }
0xed: {  	vm2 =	vle.f32 v7, v14;
	vm0 =	vlt.f32 v18, $5.000000000e+00;
	vm1 =	vgt.f32 v18, $5.000000000e+00;
	v21 =	vld.idx.msk [tilespmem:v16+s13+$0x0], $0xffff  }
0xee: {  	v22 =	vsel vm2, $0xFFFFFFFF, v0;
	vm3 =	vlt.f32 v19, $5.000000000e+00;
	vm0 =	vmor vm1, vm0;
	v14 =	vld.idx.msk [tilespmem:v17+s13+$0x0], $0xffff  }
0xef: {  	vm1 =	vgt.f32 v19, $5.000000000e+00;
	v10 =	vadd.s32 v22, v10;
	v7 =	vnsel vm0, $0x0, v18;
	v18 =	vld.idx.msk [tilespmem:v5+s13+$0x0], $0xffff  }
0xf0: {  	vm2 =	vgt.s32 v10, $0x0;
	vm0 =	vlt.f32 v20, $5.000000000e+00;
	v22 =	vmul.f32 v7, v3;
	v23 =	vld.idx.msk [tilespmem:v11+s15+$0x0], $0xffff;
	[tilespmem:s2+$0xFFFFFFE0] =	vst v11  }
0xf1: {  	vm5 =	vlt.f32 v15, $5.000000000e+00;
	vm4 =	vgt.f32 v20, $5.000000000e+00;
	v10 =	vnsel vm2, $0x0, v10;
	v11 =	vld.idx.msk [tilespmem:v12+s15+$0x0], $0xffff;
	[tilespmem:s2+$0xFFFFFFF0] =	vst v12  }
0xf2: {  	vm2 =	vgt.f32 v15, $5.000000000e+00;
	v12 =	vadd.f32 v22, v4;
	v22 =	vmin.u32 v10, $0x7F;
	v10 =	vld.idx.msk [tilespmem:v13+s15+$0x0], $0xffff;
	[tilespmem:s2+$0x0] =	vst v13  }
0xf3: {  	vm1 =	vmor vm1, vm3;
	vm0 =	vmor vm4, vm0;
	vm2 =	vmor vm2, vm5  }
0xf4: {  	v19 =	vnsel vm1, $0x0, v19;
	v13 =	vnsel vm0, $0x0, v20;
	v12 =	vtrunc.f32 v12  }
0xf5: {  	v15 =	vnsel vm2, $0x0, v15;
	v20 =	vmul.f32 v13, v3;
	v12 =	vcvt.f32.s32 v12  }
0xf6: {  	v24 =	vmul.f32 v19, v3;
	vm0 =	vle.f32 v9, v21;
	v25 =	vmul.f32 v15, v3;
	[tilespmem:s16+$0xFFFFFFE0] =	vst v23  }
0xf7: {  	vm2 =	vle.f32 v8, v14;
	v20 =	vadd.f32 v20, v4;
	vm1 =	vgt.s32 v12, $0x0;
	v14 =	vld.idx.msk [tilespmem:v22+s15+$0x0], $0xffff;
	[tilespmem:s16+$0xFFFFFFF0] =	vst v11  }
0xf8: {  	v9 =	vmovc v13;
	v21 =	vadd.f32 v25, v4;
	v11 =	vadd.f32 v24, v4;
	v23 =	vnsel vm1, $0x0, v12;
	[tilespmem:s16+$0x0] =	vst v10  }
0xf9: {  	v8 =	vmovc v19;
	v12 =	vtrunc.f32 v20;
	vm1 =	vle.f32 v6, v18;
	v6 =	vmovc v15;
	v10 =	vmin.u32 v23, $0x80  }
.Ltmp6:
0xfa: {  	v13 =	vtrunc.f32 v21;
	v18 =	vsel vm0, $0xFFFFFFFF, v0;
	v11 =	vtrunc.f32 v11;
	(pc) =	sbr.rel @p0 .LBB2_13-.Ltmp6, $4  }
0xfb: {  	s2 =	sadd.s32 $0x40, s2;
	v19 =	vcvt.f32.s32 v12;
	v12 =	vsel vm2, $0xFFFFFFFF, v0;
	v20 =	vcvt.f32.s32 v11  }
0xfc: {  	v15 =	vcvt.f32.s32 v13;
	s16 =	sadd.s32 $0x40, s16;
	v13 =	vsel vm1, $0xFFFFFFFF, v0;
	v11 =	vadd.s32 v18, v16;
	[tilespmem:s2+$0x10] =	vst v22  }
0xfd: {  	v12 =	vadd.s32 v12, v17;
	vm0 =	vgt.s32 v19, $0x0;
	vm1 =	vgt.s32 v20, $0x0;
	[tilespmem:s16+$0x10] =	vst v14  }
0xfe: {  	s7 =	sadd.s32 $0x40, s7;
	v16 =	vnsel vm0, $0x0, v19;
	vm0 =	vgt.s32 v15, $0x0;
	v17 =	vnsel vm1, $0x0, v20;
	v14 =	vld.idx.msk [tilespmem:v10+s13+$0x0], $0xffff  }
0xff: {  	v16 =	vmin.u32 v16, $0x80  }
0x100: {  	v17 =	vmin.u32 v17, $0x80;
	v15 =	vnsel vm0, $0x0, v15  }
0x101: {  	v15 =	vmin.u32 v15, $0x80;
	_ =	sdelay $0x2  }
0x102: {  	vm7 =	vgt.s32 v11, $0x0;
	v5 =	vadd.s32 v13, v5;
	vm8 =	vgt.s32 v12, $0x0;
	v55 =	vld.idx.msk [tilespmem:v16+s13+$0x0], $0xffff  }
0x103: {  	v11 =	vnsel vm7, $0x0, v11;
	vm1 =	vgt.s32 v5, $0x0;
	vm2 =	vle.f32 v7, v14;
	v7 =	vld.idx.msk [tilespmem:v17+s13+$0x0], $0xffff  }
0x104: {  	v12 =	vnsel vm8, $0x0, v12;
	v11 =	vmin.u32 v11, $0x7F;
	v14 =	vsel vm2, $0xFFFFFFFF, v0;
	v18 =	vld.idx.msk [tilespmem:v15+s13+$0x0], $0xffff  }
0x105: {  	v5 =	vnsel vm1, $0x0, v5;
	v12 =	vmin.u32 v12, $0x7F;
	v10 =	vadd.s32 v14, v10  }
0x106: {  	v5 =	vmin.u32 v5, $0x7F;
	vm9 =	vgt.s32 v10, $0x0  }
0x107: {  	v10 =	vnsel vm9, $0x0, v10;
	vm10 =	vle.f32 v9, v55  }
0x108: {  	v56 =	vmin.u32 v10, $0x7F;
	vm11 =	vle.f32 v8, v7;
	v7 =	vsel vm10, $0xFFFFFFFF, v0  }
0x109: {  	v57 =	vld.idx.msk [tilespmem:v11+s15+$0x0], $0xffff;
	vm12 =	vle.f32 v6, v18;
	v6 =	vsel vm11, $0xFFFFFFFF, v0;
	v7 =	vadd.s32 v7, v16  }
0x10a: {  	v58 =	vld.idx.msk [tilespmem:v12+s15+$0x0], $0xffff;
	v59 =	vsel vm12, $0xFFFFFFFF, v0;
	v6 =	vadd.s32 v6, v17;
	vm13 =	vgt.s32 v7, $0x0  }
0x10b: {  	[tilespmem:s2+$0xFFFFFFE0] =	vst v11;
	v60 =	vld.idx.msk [tilespmem:v5+s15+$0x0], $0xffff;
	v13 =	vadd.s32 v59, v15;
	vm14 =	vgt.s32 v6, $0x0;
	v7 =	vnsel vm13, $0x0, v7  }
0x10c: {  	[tilespmem:s2+$0xFFFFFFF0] =	vst v12;
	vm15 =	vgt.s32 v13, $0x0;
	v6 =	vnsel vm14, $0x0, v6;
	v7 =	vmin.u32 v7, $0x7F  }
0x10d: {  	[tilespmem:s2+$0x0] =	vst v5;
	v5 =	vld.idx.msk [tilespmem:v56+s15+$0x0], $0xffff;
	v61 =	vnsel vm15, $0x0, v13;
	v6 =	vmin.u32 v6, $0x7F  }
0x10e: {  	[tilespmem:s16+$0xFFFFFFE0] =	vst v57;
	v62 =	vmin.u32 v61, $0x7F  }
0x10f: {  	[tilespmem:s16+$0xFFFFFFF0] =	vst v58  }
0x110: {  	s30 =	sadd.s32 $0x40, s2;
	[tilespmem:s16+$0x0] =	vst v60  }
0x111: {  	s7 =	sadd.s32 $0x40, s16;
	[tilespmem:s30+$0x10] =	vst v56;
	v63 =	vld.idx.msk [tilespmem:v7+s15+$0x0], $0xffff  }
0x112: {  	[tilespmem:s7+$0x10] =	vst v5;
	v5 =	vld.idx.msk [tilespmem:v6+s15+$0x0], $0xffff  }
0x113: {  	[tilespmem:s30+$0xFFFFFFE0] =	vst v7;
	v7 =	vld.idx.msk [tilespmem:v62+s15+$0x0], $0xffff  }
0x114: {  	[tilespmem:s30+$0xFFFFFFF0] =	vst v6  }
0x115: {  	[tilespmem:s30+$0x0] =	vst v62  }
0x116: {  	[tilespmem:s7+$0xFFFFFFE0] =	vst v63  }
0x117: {  	[tilespmem:s7+$0xFFFFFFF0] =	vst v5  }
0x118: {  	s6 =	simm.s32 $0x9640;
	s2 =	simm.s32 $0xFFFFFFF8;
	[tilespmem:s7+$0x0] =	vst v7  }
.LBB2_15:
0x119: {  	v5 =	vld [tilespmem:s6+$0xFFFFFFC0];
	_ =	sdelay $0x4  }
0x11a: {  	v5 =	vadd.s32 v1, v5;
	_ =	sdelay $0x4  }
0x11b: {  	[tilespmem:v5+s19+$0x0] =	vst.idx.add.s32.msk $0xffff, v2  }
0x11c: {  	v5 =	vld [tilespmem:s6+$0xFFFFFFD0];
	_ =	sdelay $0x4  }
0x11d: {  	v5 =	vadd.s32 v1, v5;
	_ =	sdelay $0x4  }
0x11e: {  	[tilespmem:v5+s19+$0x0] =	vst.idx.add.s32.msk $0xffff, v2  }
0x11f: {  	v5 =	vld [tilespmem:s6+$0xFFFFFFE0];
	_ =	sdelay $0x4  }
0x120: {  	v5 =	vadd.s32 v1, v5;
	_ =	sdelay $0x4  }
0x121: {  	[tilespmem:v5+s19+$0x0] =	vst.idx.add.s32.msk $0xffff, v2  }
0x122: {  	v5 =	vld [tilespmem:s6+$0xFFFFFFF0];
	_ =	sdelay $0x4  }
0x123: {  	v5 =	vadd.s32 v1, v5;
	_ =	sdelay $0x4  }
0x124: {  	[tilespmem:v5+s19+$0x0] =	vst.idx.add.s32.msk $0xffff, v2  }
0x125: {  	v5 =	vld [tilespmem:s6+$0x0];
	_ =	sdelay $0x4  }
0x126: {  	v5 =	vadd.s32 v1, v5;
	_ =	sdelay $0x4  }
0x127: {  	[tilespmem:v5+s19+$0x0] =	vst.idx.add.s32.msk $0xffff, v2  }
0x128: {  	v5 =	vld [tilespmem:s6+$0x10];
	_ =	sdelay $0x4  }
0x129: {  	v5 =	vadd.s32 v1, v5;
	_ =	sdelay $0x4  }
0x12a: {  	[tilespmem:v5+s19+$0x0] =	vst.idx.add.s32.msk $0xffff, v2  }
0x12b: {  	v5 =	vld [tilespmem:s6+$0x20];
	_ =	sdelay $0x4  }
0x12c: {  	v5 =	vadd.s32 v1, v5;
	_ =	sdelay $0x4  }
0x12d: {  	[tilespmem:v5+s19+$0x0] =	vst.idx.add.s32.msk $0xffff, v2  }
0x12e: {  	v5 =	vld [tilespmem:s6+$0x30];
	_ =	sdelay $0x3  }
0x12f: {  	s2 =	sadd.s32 $0x8, s2  }
0x130: {  	p0 =	slt.u32 s2, $0x318;
	v5 =	vadd.s32 v1, v5  }
.Ltmp7:
0x131: {  	_ = 	snop;
	(pc) =	sbr.rel @p0 .LBB2_15-.Ltmp7, $2  }
0x132: {  	_ =	sdelay $0x2  }
0x133: {  	s6 =	sadd.s32 $0x80, s6;
	[tilespmem:v5+s19+$0x0] =	vst.idx.add.s32.msk $0xffff, v2  }
0x134: {  	p0 =	sne.s32 s0, $0x10  }
.Ltmp8:
0x135: {  	_ = 	snop;
	(pc) =	sbr.rel @p0 .LBB2_4-.Ltmp8, $4  }
0x136: {  	s2 =	sadd.s32 s4, s3  }
0x137: {  	[hbm4b:s2+s5] =	stream.linear.scatter [tilespmem:s25], [sflag:$0x4], $0x3200, $0x38;
	[tilespmem:$0x135B0] =	vst v63  }
0x138: {  	s30 =	sadd.s32 s9, s3  }
0x139: {  	[hbm4b:s30+s5] =	stream.linear.scatter [tilespmem:s26], [sflag:$0x6], $0x3200, $0x38;
	[tilespmem:$0x135B0] =	vst v63  }
0x13a: {  	_ =	swait.ge [sflag:s28], $0x3200  }
0x13b: {  	[sflag:s28] =	ssyncset.done $0x0  }
0x13c: {  	[sflag:s28] =	ssyncadd.s32 $0xFFFFCE00  }
0x13d: {  	_ =	swait.ge [sflag:s29], $0x3200  }
0x13e: {  	[sflag:s29] =	ssyncset.done $0x0  }
0x13f: {  	[sflag:s29] =	ssyncadd.s32 $0xFFFFCE00  }
0x140: {  	_ =	swait.ge [sflag:s23], $0x3200  }
0x141: {  	[sflag:s23] =	ssyncset.done $0x0  }
0x142: {  	[sflag:s23] =	ssyncadd.s32 $0xFFFFCE00  }
0x143: {  	_ =	swait.ge [sflag:s24], $0x3200  }
0x144: {  	[sflag:s24] =	ssyncset.done $0x0  }
0x145: {  	[sflag:s24] =	ssyncadd.s32 $0xFFFFCE00  }
0x146: {  	v10 =	vld [tilespmem:$0x12D30]  }
0x147: {  	v9 =	vld [tilespmem:$0x12DB0]  }
0x148: {  	v11 =	vld [tilespmem:$0x12E30]  }
0x149: {  	v13 =	vld [tilespmem:$0x12EB0]  }
0x14a: {  	v14 =	vld [tilespmem:$0x12F30]  }
0x14b: {  	v16 =	vld [tilespmem:$0x12FB0]  }
0x14c: {  	v18 =	vld [tilespmem:$0x13030]  }
0x14d: {  	v19 =	vld [tilespmem:$0x130B0]  }
0x14e: {  	v21 =	vld [tilespmem:$0x13130]  }
0x14f: {  	v42 =	vld [tilespmem:$0x131B0]  }
0x150: {  	v44 =	vld [tilespmem:$0x13230]  }
0x151: {  	v47 =	vld [tilespmem:$0x132B0]  }
0x152: {  	v50 =	vld [tilespmem:$0x13330]  }
0x153: {  	v3 =	vld [tilespmem:$0x133B0]  }
0x154: {  	v22 =	vld [tilespmem:$0x12D40]  }
0x155: {  	v23 =	vld [tilespmem:$0x12DC0]  }
0x156: {  	v24 =	vld [tilespmem:$0x12E40]  }
0x157: {  	v25 =	vld [tilespmem:$0x12EC0]  }
0x158: {  	v26 =	vld [tilespmem:$0x12F40]  }
0x159: {  	v27 =	vld [tilespmem:$0x12FC0]  }
0x15a: {  	v28 =	vld [tilespmem:$0x13040]  }
0x15b: {  	v29 =	vld [tilespmem:$0x130C0]  }
0x15c: {  	v30 =	vld [tilespmem:$0x13140]  }
0x15d: {  	v31 =	vld [tilespmem:$0x131C0]  }
0x15e: {  	v32 =	vld [tilespmem:$0x13240]  }
0x15f: {  	v33 =	vld [tilespmem:$0x132C0]  }
0x160: {  	v34 =	vld [tilespmem:$0x13340]  }
0x161: {  	v35 =	vld [tilespmem:$0x133C0]  }
0x162: {  	v36 =	vld [tilespmem:$0x13440]  }
0x163: {  	v43 =	vld [tilespmem:$0x134C0]  }
0x164: {  	v38 =	vld [tilespmem:$0x12D50]  }
0x165: {  	v39 =	vld [tilespmem:$0x12DD0]  }
0x166: {  	v40 =	vld [tilespmem:$0x12E50]  }
0x167: {  	v41 =	vld [tilespmem:$0x12ED0]  }
0x168: {  	v46 =	vld [tilespmem:$0x12F50]  }
0x169: {  	v49 =	vld [tilespmem:$0x12FD0]  }
0x16a: {  	v51 =	vld [tilespmem:$0x12D60]  }
0x16b: {  	v52 =	vld [tilespmem:$0x12DE0]  }
0x16c: {  	v53 =	vld [tilespmem:$0x12E60]  }
0x16d: {  	[tilespmem:$0x1FE50] =	vst v3;
	v3 =	vld [tilespmem:$0x13430]  }
0x16e: {  	v61 =	vld [tilespmem:$0x13470]  }
0x16f: {  	v54 =	vld [tilespmem:$0x12EE0]  }
0x170: {  	v55 =	vld [tilespmem:$0x12F60]  }
0x171: {  	v56 =	vld [tilespmem:$0x12FE0]  }
0x172: {  	[tilespmem:$0x1FE60] =	vst v3;
	v3 =	vld [tilespmem:$0x134B0]  }
0x173: {  	[tilespmem:$0x1FF80] =	vst v61;
	v61 =	vld [tilespmem:$0x134F0]  }
0x174: {  	v57 =	vld [tilespmem:$0x13060]  }
0x175: {  	v58 =	vld [tilespmem:$0x130E0]  }
0x176: {  	v59 =	vld [tilespmem:$0x13160]  }
0x177: {  	[tilespmem:$0x1FE70] =	vst v3;
	v3 =	vld [tilespmem:$0x13050]  }
0x178: {  	[tilespmem:$0x1FFA0] =	vst v61;
	v61 =	vld [tilespmem:$0x12D80]  }
0x179: {  	v60 =	vld [tilespmem:$0x131E0]  }
0x17a: {  	v4 =	vld [tilespmem:$0x12D70]  }
0x17b: {  	v5 =	vld [tilespmem:$0x12E70]  }
0x17c: {  	[tilespmem:$0x1FE80] =	vst v3;
	v3 =	vld [tilespmem:$0x130D0]  }
0x17d: {  	[tilespmem:$0x1FF90] =	vst v61;
	v61 =	vld [tilespmem:$0x12E80]  }
0x17e: {  	v6 =	vld [tilespmem:$0x12EF0]  }
0x17f: {  	v7 =	vld [tilespmem:$0x12F70]  }
0x180: {  	v8 =	vld [tilespmem:$0x12FF0]  }
0x181: {  	[tilespmem:$0x1FE90] =	vst v3;
	v3 =	vld [tilespmem:$0x13150]  }
0x182: {  	[tilespmem:$0x1FFB0] =	vst v61;
	v61 =	vld [tilespmem:$0x12F00]  }
0x183: {  	v12 =	vld [tilespmem:$0x13070]  }
0x184: {  	v15 =	vld [tilespmem:$0x130F0]  }
0x185: {  	v17 =	vld [tilespmem:$0x13170]  }
0x186: {  	[tilespmem:$0x1FEA0] =	vst v3;
	v3 =	vld [tilespmem:$0x131D0]  }
0x187: {  	[tilespmem:$0x1FFC0] =	vst v61;
	v61 =	vld [tilespmem:$0x12F80]  }
0x188: {  	v20 =	vld [tilespmem:$0x131F0]  }
0x189: {  	v37 =	vld [tilespmem:$0x13270]  }
0x18a: {  	v45 =	vld [tilespmem:$0x132F0]  }
0x18b: {  	[tilespmem:$0x1FEB0] =	vst v3;
	v3 =	vld [tilespmem:$0x13250]  }
0x18c: {  	[tilespmem:$0x1FFD0] =	vst v61;
	v61 =	vld [tilespmem:$0x13000]  }
0x18d: {  	v48 =	vld [tilespmem:$0x13370]  }
0x18e: {  	v62 =	vld [tilespmem:$0x133F0]  }
0x18f: {  	v63 =	vld [tilespmem:$0x12E00]  }
0x190: {  	v9 =	vadd.s32 v10, v9;
	[tilespmem:$0x1FEC0] =	vst v3;
	v3 =	vld [tilespmem:$0x132D0]  }
0x191: {  	v9 =	vadd.s32 v11, v9;
	[tilespmem:$0x1FFE0] =	vst v61;
	v61 =	vld [tilespmem:$0x13080]  }
0x192: {  	v10 =	vld [tilespmem:$0x13100];
	v9 =	vadd.s32 v13, v9  }
0x193: {  	v9 =	vadd.s32 v14, v9;
	v14 =	vld [tilespmem:$0x13400]  }
0x194: {  	v9 =	vadd.s32 v16, v9;
	v16 =	vld [tilespmem:$0x13300]  }
0x195: {  	[tilespmem:$0x1FED0] =	vst v3;
	v3 =	vld [tilespmem:$0x13350]  }
0x196: {  	[tilespmem:$0x1FFF0] =	vst v61;
	v61 =	vadd.s32 v22, v23;
	v22 =	vld [tilespmem:$0x13180]  }
0x197: {  	v23 =	vld [tilespmem:$0x13200]  }
0x198: {  	v11 =	vadd.s32 v24, v61;
	v24 =	vld [tilespmem:$0x13280]  }
0x199: {  	v61 =	vld [tilespmem:$0x12F20]  }
0x19a: {  	[tilespmem:$0x1FEF0] =	vst v3;
	v3 =	vld [tilespmem:$0x133D0]  }
0x19b: {  	v11 =	vadd.s32 v25, v11;
	v25 =	vld [tilespmem:$0x12E10]  }
0x19c: {  	v11 =	vadd.s32 v26, v11;
	v26 =	vadd.s32 v18, v9;
	v9 =	vld [tilespmem:$0x13380]  }
0x19d: {  	v13 =	vadd.s32 v19, v26;
	v26 =	vld [tilespmem:$0x12E90]  }
0x19e: {  	v11 =	vadd.s32 v27, v11;
	v27 =	vld [tilespmem:$0x12F10]  }
0x19f: {  	[tilespmem:$0x1FF10] =	vst v3;
	v3 =	vld [tilespmem:$0x13450]  }
0x1a0: {  	v11 =	vadd.s32 v28, v11;
	v28 =	vadd.s32 v21, v13;
	v13 =	vld [tilespmem:$0x13480]  }
0x1a1: {  	v21 =	vld [tilespmem:$0x12D90]  }
0x1a2: {  	v18 =	vadd.s32 v42, v28;
	v28 =	vld [tilespmem:$0x12F90]  }
0x1a3: {  	v42 =	vld [tilespmem:$0x1FE90]  }
0x1a4: {  	v39 =	vadd.s32 v38, v39;
	[tilespmem:$0x1FF30] =	vst v3;
	v3 =	vld [tilespmem:$0x134D0]  }
0x1a5: {  	v11 =	vadd.s32 v29, v11;
	v29 =	vadd.s32 v40, v39;
	v40 =	vadd.s32 v51, v52;
	v52 =	vld [tilespmem:$0x12DA0]  }
0x1a6: {  	v30 =	vadd.s32 v30, v11;
	v11 =	vld [tilespmem:$0x13500]  }
0x1a7: {  	v29 =	vadd.s32 v41, v29;
	v41 =	vld [tilespmem:$0x1FE80]  }
0x1a8: {  	v18 =	vadd.s32 v44, v18;
	v44 =	vld [tilespmem:$0x1FEB0]  }
0x1a9: {  	[tilespmem:$0x1FF50] =	vst v3;
	v3 =	vld [tilespmem:$0x13260]  }
0x1aa: {  	v19 =	vadd.s32 v31, v30;
	v30 =	vld [tilespmem:$0x13010]  }
0x1ab: {  	v29 =	vadd.s32 v46, v29;
	v46 =	vld [tilespmem:$0x1FEC0]  }
0x1ac: {  	v18 =	vadd.s32 v47, v18;
	v47 =	vld [tilespmem:$0x1FED0]  }
0x1ad: {  	v31 =	vadd.s32 v53, v40;
	v40 =	vld [tilespmem:$0x1FF80]  }
0x1ae: {  	[tilespmem:$0x1FEE0] =	vst v3;
	v3 =	vld [tilespmem:$0x132E0]  }
0x1af: {  	v19 =	vadd.s32 v32, v19;
	v32 =	vld [tilespmem:$0x13090]  }
0x1b0: {  	v31 =	vadd.s32 v54, v31;
	v19 =	vadd.s32 v33, v19;
	v33 =	vld [tilespmem:$0x1FE50]  }
0x1b1: {  	v31 =	vadd.s32 v55, v31;
	v55 =	vld [tilespmem:$0x12E20]  }
0x1b2: {  	v19 =	vadd.s32 v34, v19;
	v34 =	vld [tilespmem:$0x1FE60]  }
0x1b3: {  	[tilespmem:$0x1FF00] =	vst v3;
	v3 =	vld [tilespmem:$0x13360]  }
0x1b4: {  	v18 =	vadd.s32 v50, v18;
	v50 =	vld [tilespmem:$0x1FEF0]  }
0x1b5: {  	v29 =	vadd.s32 v49, v29;
	v19 =	vadd.s32 v35, v19;
	v35 =	vld [tilespmem:$0x1FE70]  }
0x1b6: {  	v29 =	vadd.s32 v41, v29;
	v41 =	vld [tilespmem:$0x1FF90];
	v19 =	vadd.s32 v36, v19  }
0x1b7: {  	v31 =	vadd.s32 v56, v31;
	v19 =	vadd.s32 v43, v19;
	v43 =	vld [tilespmem:$0x1FEA0]  }
0x1b8: {  	v31 =	vadd.s32 v57, v31;
	[tilespmem:$0x1FF20] =	vst v3;
	v3 =	vld [tilespmem:$0x133E0]  }
0x1b9: {  	v31 =	vadd.s32 v58, v31;
	v58 =	vld [tilespmem:$0x12EA0]  }
0x1ba: {  	v29 =	vadd.s32 v42, v29;
	v42 =	vld [tilespmem:$0x12FA0]  }
0x1bb: {  	v53 =	vld [tilespmem:$0x1FF10]  }
0x1bc: {  	v29 =	vadd.s32 v43, v29;
	v43 =	vld [tilespmem:$0x1FFA0]  }
0x1bd: {  	[tilespmem:$0x1FF40] =	vst v3;
	v3 =	vld [tilespmem:$0x13460]  }
0x1be: {  	v29 =	vadd.s32 v44, v29;
	v44 =	vld [tilespmem:$0x1FFB0]  }
0x1bf: {  	v56 =	vld [tilespmem:$0x1FF30]  }
0x1c0: {  	v29 =	vadd.s32 v46, v29;
	v46 =	vld [tilespmem:$0x1FFC0]  }
0x1c1: {  	v29 =	vadd.s32 v47, v29;
	v47 =	vadd.s32 v52, v55;
	v52 =	vld [tilespmem:$0x131A0]  }
0x1c2: {  	[tilespmem:$0x1FF60] =	vst v3;
	v3 =	vld [tilespmem:$0x134E0]  }
0x1c3: {  	v55 =	vld [tilespmem:$0x132A0]  }
0x1c4: {  	v29 =	vadd.s32 v50, v29;
	v50 =	vld [tilespmem:$0x13120]  }
0x1c5: {  	v29 =	vadd.s32 v53, v29;
	v53 =	vld [tilespmem:$0x1FFF0]  }
0x1c6: {  	v31 =	vadd.s32 v59, v31;
	v59 =	vld [tilespmem:$0x1FF50]  }
0x1c7: {  	[tilespmem:$0x1FF70] =	vst v3;
	v3 =	vld [tilespmem:$0x12DF0]  }
0x1c8: {  	v21 =	vadd.s32 v21, v25;
	v49 =	vld [tilespmem:$0x1FEE0]  }
0x1c9: {  	v21 =	vadd.s32 v26, v21;
	v26 =	vadd.s32 v58, v47;
	v51 =	vld [tilespmem:$0x1FF00]  }
0x1ca: {  	v26 =	vadd.s32 v61, v26;
	v61 =	vld [tilespmem:$0x134A0]  }
0x1cb: {  	v29 =	vadd.s32 v56, v29;
	v54 =	vld [tilespmem:$0x1FF20]  }
0x1cc: {  	v31 =	vadd.s32 v60, v31;
	v29 =	vadd.s32 v59, v29;
	v59 =	vld [tilespmem:$0x133A0];
	v3 =	vadd.s32 v4, v3  }
0x1cd: {  	v31 =	vadd.s32 v49, v31;
	v49 =	vld [tilespmem:$0x1FFD0];
	v3 =	vadd.s32 v5, v3  }
0x1ce: {  	v31 =	vadd.s32 v51, v31;
	v51 =	vld [tilespmem:$0x1FFE0];
	v3 =	vadd.s32 v6, v3  }
0x1cf: {  	v57 =	vld [tilespmem:$0x1FF40];
	v3 =	vadd.s32 v7, v3  }
0x1d0: {  	v31 =	vadd.s32 v54, v31;
	v54 =	vld [tilespmem:$0x13220];
	v3 =	vadd.s32 v8, v3  }
0x1d1: {  	v60 =	vld [tilespmem:$0x1FF60];
	v3 =	vadd.s32 v12, v3  }
0x1d2: {  	v21 =	vadd.s32 v27, v21;
	v4 =	vld [tilespmem:$0x13110];
	v3 =	vadd.s32 v15, v3  }
0x1d3: {  	v21 =	vadd.s32 v28, v21;
	v5 =	vld [tilespmem:$0x13190];
	v3 =	vadd.s32 v17, v3  }
0x1d4: {  	v21 =	vadd.s32 v30, v21;
	v18 =	vadd.s32 v33, v18;
	v6 =	vld [tilespmem:$0x13210];
	v3 =	vadd.s32 v20, v3  }
0x1d5: {  	v21 =	vadd.s32 v32, v21;
	v7 =	vld [tilespmem:$0x13290];
	v3 =	vadd.s32 v37, v3;
	v37 =	vadd.s32 v41, v63  }
0x1d6: {  	v18 =	vadd.s32 v34, v18;
	v3 =	vadd.s32 v45, v3;
	v37 =	vadd.s32 v44, v37;
	v45 =	vld [tilespmem:$0x13020]  }
0x1d7: {  	v18 =	vadd.s32 v35, v18;
	v3 =	vadd.s32 v48, v3;
	v37 =	vadd.s32 v46, v37;
	v48 =	vld [tilespmem:$0x130A0]  }
0x1d8: {  	v26 =	vadd.s32 v42, v26;
	v8 =	vld [tilespmem:$0x13310];
	v4 =	vadd.s32 v4, v21;
	v34 =	vadd.s32 v49, v37  }
0x1d9: {  	v31 =	vadd.s32 v57, v31;
	v12 =	vld [tilespmem:$0x13390];
	v4 =	vadd.s32 v5, v4;
	v34 =	vadd.s32 v51, v34  }
0x1da: {  	v57 =	vld [tilespmem:$0x13320];
	v31 =	vadd.s32 v60, v31;
	v4 =	vadd.s32 v6, v4;
	v34 =	vadd.s32 v53, v34  }
0x1db: {  	v3 =	vadd.s32 v62, v3;
	v62 =	vld [tilespmem:$0x1FF70];
	v10 =	vadd.s32 v10, v34;
	v25 =	vadd.s32 v45, v26  }
0x1dc: {  	v60 =	vld [tilespmem:$0x13420];
	v4 =	vadd.s32 v7, v4;
	v10 =	vadd.s32 v22, v10;
	v56 =	vadd.s32 v48, v25  }
0x1dd: {  	v15 =	vld [tilespmem:$0x13410];
	v4 =	vadd.s32 v8, v4;
	v10 =	vadd.s32 v23, v10;
	v58 =	vadd.s32 v50, v56  }
0x1de: {  	v17 =	vld [tilespmem:$0x13490];
	v4 =	vadd.s32 v12, v4;
	v10 =	vadd.s32 v24, v10;
	v5 =	vadd.s32 v52, v58  }
0x1df: {  	[tilespmem:$0x13540] =	vst v19;
	v20 =	vld [tilespmem:$0x13510];
	v3 =	vadd.s32 v40, v3;
	v10 =	vadd.s32 v16, v10;
	v5 =	vadd.s32 v54, v5  }
0x1e0: {  	[tilespmem:$0x13530] =	vst v18;
	v31 =	vadd.s32 v62, v31;
	v62 =	vld [tilespmem:$0x13520];
	v9 =	vadd.s32 v9, v10;
	v5 =	vadd.s32 v55, v5  }
0x1e1: {  	[tilespmem:$0x13550] =	vst v29;
	v3 =	vadd.s32 v43, v3;
	v9 =	vadd.s32 v14, v9;
	v5 =	vadd.s32 v57, v5  }
0x1e2: {  	v4 =	vadd.s32 v15, v4;
	[tilespmem:$0x13570] =	vst v3;
	v9 =	vadd.s32 v13, v9;
	v5 =	vadd.s32 v59, v5  }
0x1e3: {  	v4 =	vadd.s32 v17, v4;
	[tilespmem:$0x13560] =	vst v31;
	v3 =	vadd.s32 v11, v9;
	v5 =	vadd.s32 v60, v5  }
0x1e4: {  	s31 =	sadd.s32 $0x1, s31;
	[tilespmem:$0x13580] =	vst v3;
	v3 =	vadd.s32 v20, v4;
	v63 =	vadd.s32 v61, v5  }
0x1e5: {  	p0 =	sne.s32 s31, s12;
	[tilespmem:$0x13590] =	vst v3;
	v3 =	vadd.s32 v62, v63  }
.Ltmp9:
0x1e6: {  	s0 =	simm.s32 $0x13530;
	[tilespmem:$0x135A0] =	vst v3;
	(pc) =	sbr.rel @p0 .LBB2_1-.Ltmp9, $4  }
0x1e7: {  	[hbm4b:s11+s5] =	stream.linear.scatter [tilespmem:s0], [sflag:$0x7], $0x80, $0x38;
	[tilespmem:$0x135B0] =	vst v63  }
0x1e8: {  	_ =	swait.ge [sflag:s14], $0x80  }
0x1e9: {  	[sflag:s14] =	ssyncset.done $0x0  }
0x1ea: {  	[sflag:s14] =	ssyncadd.s32 $0xFFFFFF80  }
0x1eb: {  	_ =	sfence.sel $0x180000  }
0x1ec: {  	[bflag:$0x0] =	sbarrier.arrive $0xFFFF  }
0x1ed: {  	_ =	strace $0x90000047  }
0x1ee: {  	s0 =	stileid.u32;
	[bflag:$0x2] =	sbarrier.arrive $0xFFFF  }
0x1ef: {  	p0 =	sne.s32 s0, $0x0;
	s0 =	rddreg [dreg:$0x4]  }
0x1f0: {  	s0 =	sadd.s32 @!p0 $0x100000, s0  }
0x1f1: {  	[sflag:s0] =	ssyncadd.tile.s32 @!p0 $0x1;
	_ =	shalt  }
.Lfunc_end2:
_tile_overlayer_lowered:
.L_overlay_start_2:
0x1f2: {  	(tag) =	ssettag $0x2  }
0x1f3: {  	s0 =	rddreg [dreg:$0x0];
	s2 =	stileid.u32  }
0x1f4: {  	s1 =	rddreg [dreg:$0x1];
	p0 =	sne.s32 s2, $0x0  }
0x1f5: {  	s3 =	rddreg [dreg:$0x2];
	[bflag:$0x3] =	sbarrier.arrive $0xFFFF;
	s2 =	simm.s32 @!p0 $0x1C07  }
0x1f6: {  	[timem:s3], [sflag:s2] =	dma.local @!p0 [hbm:s0], s1  }
0x1f7: {  	s0 =	simm.s32 @!p0 $0x7  }
0x1f8: {  	_ =	swait.ge @!p0 [sflag:s0], s1  }
0x1f9: {  	s1 =	ssub.s32 @!p0 $0x0, s1;
	[sflag:s0] =	ssyncset.done @!p0 $0x0  }
0x1fa: {  	[sflag:s0] =	ssyncadd.s32 @!p0 s1  }
0x1fb: {  	[bflag:$0x3] =	sbarrier.arrive $0xFFFF  }
0x1fc: {  	_ =	shalt  }

// kernel: sparse-core-data-format-call.1.cloned.1.call-start
scs
called_computation.1_lowered:
.L_overlay_start_0:
0x0: {  	s2 =	sld [smem:$0x3FD9]  }
0x1: {  	s3 =	sld [smem:$0x3FFE];
	_ =	sdelay $0x1  }
0x2: {  	s1 =	srdreg.scid  }
0x3: {  	s0 =	sand.u32 $0x1, s1  }
0x4: {  	s16 =	sshll.u32 s0, $0xA;
	s2 =	sadd.s32 s3, s2  }
0x5: {  	s2 =	sadd.s32 s2, s16  }
0x6: {  	[smem:$0x3FC6] =	sst s2  }
0x7: {  	_ = 	snop  }
0x8: {  	s2 =	sld [smem:$0x3FD0];
	_ =	sdelay $0x2  }
0x9: {  	s17 =	simm.s32 $0xB;
	s4 =	simm.s32 $0x10  }
0xa: {  	[smem:s4], [sflag:s17] =	dma.local [hbm:s2], $0x1  }
0xb: {  	_ =	swait.eq [sflag:s17], $0x1  }
0xc: {  	[sflag:s17] =	ssyncset.done $0x0  }
0xd: {  	[sflag:s17] =	ssyncadd.s32 $0xFFFFFFFF  }
0xe: {  	s18 =	sld [smem:$0x10];
	(tm) =	ssettm $0x1  }
0xf: {  	s19 =	sld [smem:$0x3FFB];
	_ =	sdelay $0x3  }
0x10: {  	_ =	strace s19  }
0x11: {  	s2 =	sld [smem:$0x3FFC];
	_ =	sdelay $0x3  }
0x12: {  	_ =	strace s2  }
0x13: {  	s2 =	sld [smem:$0x3FFD];
	_ =	sdelay $0x3  }
0x14: {  	_ =	strace s2  }
0x15: {  	_ =	strace $0x8FFFFFFF  }
0x16: {  	s20 =	sld [smem:$0x3FDB];
	_ =	sdelay $0x1  }
0x17: {  	s21 =	simm.s32 $_scs_section_size  }
0x18: {  	s5 =	simm.s32 $_size__tile_overlayer_lowered;
	s6 =	simm.s32 $_tile_overlayer_lowered  }
0x19: {  	s7 =	simm.s32 $0x1BFF;
	s22 =	sshll.u32 s6, $0x1;
	s4 =	sadd.s32 s21, s20  }
0x1a: {  	s23 =	simm.s32 $0x0;
	s5 =	sshll.u32 s5, $0x1;
	s6 =	sadd.s32 s22, s4  }
0x1b: {  	[timem:s23], [sflag:s7] =	dma.local [hbm:s6], s5  }
0x1c: {  	_ =	swait.ge [sflag:s7], s5  }
0x1d: {  	s5 =	ssub.s32 $0x0, s5;
	[sflag:s7] =	ssyncset.done $0x0  }
0x1e: {  	[sflag:s7] =	ssyncadd.s32 s5;
	_ =	sdelay $0x1  }
0x1f: {  	s24 =	simm.s32 $0x1B8B  }
0x20: {  	_ =	swait.ge [sflag:s24], $0x1  }
0x21: {  	[sflag:s24] =	ssyncset.done $0x0  }
0x22: {  	[sflag:s24] =	ssyncadd.s32 $0xFFFFFFFF  }
0x23: {  	s5 =	sld [smem:$0x0]  }
0x24: {  	s6 =	sand.u32 $0xFFFFFFFE, s1  }
0x25: {  	p0 =	sne.s32 s1, s6  }
0x26: {  	s6 =	sshll.u32 @p0 s6, $0xE  }
0x27: {  	s6 =	sadd.s32 @p0 $0x11B8D, s6;
	s7 =	sshll.u32 @p0 s5, $0x11  }
0x28: {  	s6 =	sor.u32 @p0 s7, s6  }
0x29: {  	[sflag:s6] =	ssyncadd.remote.s32 @p0 $0x1;
	_ =	sdelay $0x1  }
0x2a: {  	s6 =	simm.s32 @p0 $0x1B8D  }
0x2b: {  	_ =	swait.eq @p0 [sflag:s6], $0x1  }
0x2c: {  	[sflag:s6] =	ssyncadd.s32 @p0 $0xFFFFFFFF  }
0x2d: {  	s7 =	sshll.u32 @!p0 s1, $0xE  }
0x2e: {  	s7 =	sor.u32 @!p0 $0x4000, s7;
	s6 =	simm.s32 @!p0 $0x1B8D  }
0x2f: {  	s5 =	sshll.u32 @!p0 s5, $0x11;
	s7 =	sadd.s32 @!p0 $0x11B8D, s7;
	_ =	swait.eq @!p0 [sflag:s6], $0x1  }
0x30: {  	s5 =	sor.u32 @!p0 s5, s7;
	[sflag:s6] =	ssyncadd.s32 @!p0 $0xFFFFFFFF  }
0x31: {  	s26 =	simm.s32 $0x1B8E;
	s25 =	sld [smem:$0x3FFE];
	[sflag:s5] =	ssyncadd.remote.s32 @!p0 $0x1  }
0x32: {  	s27 =	simm.s32 $execute0_lowered;
	[smem:$0x3FD2] =	sst s26  }
0x33: {  	s6 =	sshll.u32 s27, $0x1;
	_ =	strace $0x8000004C;
	[dreg:$0x1] =	wrdreg $0xFFFFFFFF  }
0x34: {  	s28 =	simm.s32 $_size_execute0_lowered;
	s4 =	sadd.s32 s4, s6;
	[dreg:$0x0] =	wrdreg $0x0  }
0x35: {  	s6 =	sshll.u32 s28, $0x1;
	[dreg:$0x2] =	wrdreg s4  }
0x36: {  	[dreg:$0x3] =	wrdreg s6  }
0x37: {  	[dreg:$0x4] =	wrdreg $0xC0  }
0x38: {  	_ =	task [dreg:s23], $0x5FFFF  }
0x39: {  	[dreg:$0x1] =	wrdreg $0xFFFFFFFF  }
0x3a: {  	[dreg:$0x0] =	wrdreg $0x60  }
0x3b: {  	[dreg:$0x2] =	wrdreg s25  }
0x3c: {  	[dreg:$0x3] =	wrdreg s18  }
0x3d: {  	[dreg:$0x4] =	wrdreg $0xA  }
0x3e: {  	_ =	task.clear_ibuf [dreg:s23], $0x5FFFF;
	_ =	strace $0x9000004C  }
0x3f: {  	s29 =	simm.s32 $0xA;
	_ =	strace $0x8000004E  }
0x40: {  	_ =	swait.ge [sflag:s29], $0x1  }
0x41: {  	[sflag:s29] =	ssyncadd.s32 $0xFFFFFFFF  }
0x42: {  	_ =	strace $0x9000004E  }
0x43: {  	_ =	sfence  }
0x44: {  	s30 =	sld [smem:$0x0];
	_ =	sdelay $0x2  }
0x45: {  	s31 =	sshll.u32 s1, $0xD;
	s1 =	sshrl.u32 s1, $0x2  }
0x46: {  	s4 =	sand.u32 $0x4000, s31;
	s1 =	sadd.s32 s1, s30  }
0x47: {  	s0 =	sor.u32 s4, s0;
	s1 =	sshll.u32 s1, $0x11  }
0x48: {  	s0 =	sor.u32 s1, s0  }
0x49: {  	s0 =	sadd.s32 $0x8F2B, s0  }
0x4a: {  	[sflag:s0] =	ssyncadd.remote.s32 $0x1  }
0x4b: {  	_ =	sfence.sel $0xFFFF  }
0x4c: {  	[dreg:$0x0] =	wrdreg $0xFFFFFFFF;
	(pc) =	sbr.abs _section_cstart, $3  }
0x4d: {  	[dreg:$0x1] =	wrdreg $0xFFFFFFFF  }
0x4e: {  	_ =	task.clear_ibuf [dreg:s23], $0x2FFFF;
	_ =	strace $0x9FFFFFFF  }
0x4f: {  	(tm) =	ssettm $0x7FFFFFFF  }
tec
execute0_lowered:
.L_overlay_start_1:
0x0: {  	(tag) =	ssettag $0x1  }
0x1: {  	s0 =	srdreg.scid  }
0x2: {  	s1 =	sshll.u32 s0, $0x4  }
0x3: {  	s0 =	stileid.u32;
	s1 =	sand.u32 $0x10, s1  }
0x4: {  	s1 =	sor.u32 s0, s1  }
0x5: {  	s6 =	rddreg [dreg:$0x0];
	s4 =	simm.s32 $0x1;
	s2 =	sshll.u32 s1, $0x7  }
0x6: {  	s7 =	simm.s32 $0x2;
	s12 =	simm.s32 $0x0;
	s1 =	ssub.s32 $0x1000, s2  }
0x7: {  	s8 =	simm.s32 $0x8000;
	s13 =	simm.s32 $0x0;
	s3 =	sand.u32 $0xF80, s1  }
0x8: {  	s9 =	simm.s32 $0x0;
	s5 =	sshrl.u32 s1, $0xC;
	p0 =	sne.s32 s3, $0x0  }
.Ltmp0:
0x9: {  	s1 =	rddreg [dreg:$0x2];
	s4 =	simm.s32 @!p0 $0x0;
	(pc) =	sbr.rel .LBB1_1-.Ltmp0, $4  }
0xa: {  	s11 =	simm.s32 $0x0;
	s3 =	rddreg [dreg:$0x1];
	s5 =	sadd.s32 s4, s5  }
0xb: {  	_ =	strace $0x8000004D;
	s4 =	simm.s32 $0x1;
	s5 =	smul.u32 $0xC8, s5  }
0xc: {  	s6 =	sadd.s32 $0xE11600, s6;
	s10 =	smov.u32 s2;
	[sflag:s4] =	ssyncpa.u1 $0x0  }
0xd: {  	p0 =	por $0x0, $0x0;
	[sflag:s7] =	ssyncpa.u1 $0x0;
	s7 =	sor.u32 $0x1, s5  }
.LBB1_4:
0xe: {  	s16 =	sshll.u32 s13, $0x3;
	s17 =	sand.u32 $0x78, s13  }
0xf: {  	s30 =	sand.u32 $0x1E00, s13;
	s12 =	sshll.u32 s12, $0xD;
	s16 =	sand.u32 $0xC00, s16  }
0x10: {  	s31 =	sand.u32 $0x7, s13;
	s16 =	sor.u32 s17, s16;
	s17 =	sadd.s32 s3, s30  }
0x11: {  	s13 =	sshll.u32 s31, $0x12;
	s16 =	sshrl.u32 s16, $0x3;
	s12 =	sadd.s32 s12, s17  }
0x12: {  	[tilespmem:s15+$0x0 ss:$0x81] =	vst.msk $0xffff, v1;
	s13 =	sor.u32 $0x400, s13;
	s12 =	sadd.s32 s16, s12  }
0x13: {  	[hbm4b:s12+s13] =	stream.strided.scatter [tilespmem:s14], [sflag:$0x2], $0x800, s8, s13, $0x20;
	[tilespmem:$0x2020] =	vst v63  }
.LBB1_5:
0x14: {  	s14 =	sadd.s32 $0x1, s9  }
0x15: {  	s12 =	sadd.s32 $0x1000, s10;
	s16 =	smov.u32 s10;
	p2 =	sgt.s32 s14, $0xC7  }
0x16: {  	s16 =	smov.u32 @p2 s12  }
0x17: {  	s14 =	simm.s32 @p2 $0x0;
	p2 =	sgt.s32 s16, $0xFFF  }
0x18: {  	s16 =	smov.u32 @p2 s2;
	p2 =	sne.s32 s11, s7  }
.Ltmp1:
0x19: {  	p1 =	slt.u32 s11, $0x2;
	(pc) =	sbr.rel @!p2 .LBB1_6-.Ltmp1, $4  }
0x1a: {  	s15 =	simm.s32 @!p1 $0x2  }
0x1b: {  	s13 =	smov.u32 s10;
	p0 =	por !p0, !p0;
	_ =	swait.ge @!p1 [sflag:s15], $0x800  }
0x1c: {  	s12 =	smov.u32 s9;
	[sflag:s15] =	ssyncset.done @!p1 $0x0;
	s9 =	smov.u32 s14  }
0x1d: {  	s11 =	sadd.s32 $0x1, s11;
	[sflag:s15] =	ssyncadd.s32 @!p1 $0xFFFFF800;
	s10 =	smov.u32 s16  }
.LBB1_1:
0x1e: {  	p1 =	sge.u32 s11, s5  }
0x1f: {  	s14 =	sand.u32 @!p1 $0x1FFFFFF, s9  }
0x20: {  	s15 =	smulhi.u32 @!p1 $0x147AE15, s14;
	_ =	sdelay $0x1  }
0x21: {  	s15 =	smul.u32 @!p1 $0xC8, s15  }
0x22: {  	s16 =	sxor.u32 @!p1 $0xFFFFFFFF, s11;
	s17 =	smul.u32 @!p1 $0xC80, s10  }
0x23: {  	s31 =	sadd.s32 $0xFFFFFFFF, s11;
	s16 =	sshll.u32 @!p1 s16, $0xB;
	s14 =	ssub.s32 @!p1 s14, s15  }
0x24: {  	s15 =	sand.u32 @!p1 $0x800, s16;
	s16 =	sadd.s32 @!p1 s6, s17;
	s14 =	sshll.u32 @!p1 s14, $0x4  }
0x25: {  	s17 =	simm.s32 @!p1 $0x6400;
	s14 =	sadd.s32 @!p1 s14, s16;
	s16 =	simm.s32 @!p1 $0x10  }
0x26: {  	[tilespmem:s15], [sflag:$0x1] =	stream.strided.gather @!p1 [hbm4b:s14+s16], $0x800, s17, s16, $0x38;
	[tilespmem:$0x2020] =	vst v63  }
0x27: {  	p1 =	sge.u32 s31, s5  }
.Ltmp2:
0x28: {  	_ = 	snop;
	(pc) =	sbr.rel @p1 .LBB1_5-.Ltmp2, $1  }
0x29: {  	_ =	sdelay $0x3  }
0x2a: {  	s14 =	simm.s32 $0x1  }
0x2b: {  	s14 =	simm.s32 @!p0 $0x0  }
0x2c: {  	s15 =	sshll.u32 s14, $0xB  }
0x2d: {  	v0 =	vmov s15;
	_ =	sdelay $0x1  }
0x2e: {  	_ =	swait.ge [sflag:s4], $0x800  }
0x2f: {  	s31 =	sand.u32 $0x1, s11;
	[sflag:s4] =	ssyncset.done $0x0  }
0x30: {  	s17 =	simm.s32 $0x0;
	s14 =	smul.u32 $0x2040, s14;
	[sflag:s4] =	ssyncadd.s32 $0xFFFFF800  }
0x31: {  	s15 =	smul.u32 $0x2040, s31;
	v1 =	vld.idx.msk [tilespmem:v0+s17+$0x0 ss:$0x1], $0xffff;
	_ =	sdelay $0x1  }
0x32: {  	s14 =	sshrl.u32 s14, $0x2;
	s16 =	sshrl.u32 s15, $0x2  }
0x33: {  	s15 =	sor.u32 $0x1000, s14;
	s14 =	sor.u32 $0x1000, s16;
	s16 =	simm.s32 $0x40  }
.LBB1_3:
0x34: {  	s17 =	sshra.s32 s16, $0x2;
	p1 =	sne.s32 s16, $0x1FC0;
	s16 =	sadd.s32 $0x40, s16  }
.Ltmp3:
0x35: {  	[tilespmem:s15+$0x0 ss:$0x81] =	vst.msk $0xffff, v1;
	v1 =	vld.idx.msk [tilespmem:v0+s17+$0x0 ss:$0x1], $0xffff;
	(pc) =	sbr.rel @p1 .LBB1_3-.Ltmp3, $2  }
0x36: {  	_ =	sdelay $0x2  }
0x37: {  	s15 =	sadd.s32 $0x1, s15  }
.Ltmp4:
0x38: {  	_ = 	snop;
	(pc) =	sbr.rel .LBB1_4-.Ltmp4, $1  }
0x39: {  	_ =	sdelay $0x3  }
.LBB1_6:
0x3a: {  	_ =	sfence.sel $0x180000  }
0x3b: {  	s2 =	simm.s32 $0x1;
	[bflag:$0x0] =	sbarrier.arrive $0xFFFF  }
0x3c: {  	s31 =	simm.s32 $0x2;
	[sflag:s2] =	ssyncpa.u1 $0x1  }
0x3d: {  	[sflag:s31] =	ssyncpa.u1 $0x1  }
0x3e: {  	p0 =	sne.s32 s0, $0x0;
	_ =	strace $0x9000004D  }
0x3f: {  	s0 =	sadd.s32 @!p0 $0x100000, s1;
	[bflag:$0x2] =	sbarrier.arrive $0xFFFF  }
0x40: {  	[sflag:s0] =	ssyncadd.tile.s32 @!p0 $0x1;
	_ =	shalt  }
.Lfunc_end1:
_tile_overlayer_lowered:
.L_overlay_start_2:
0x41: {  	(tag) =	ssettag $0x2  }
0x42: {  	s0 =	rddreg [dreg:$0x0];
	s2 =	stileid.u32  }
0x43: {  	s1 =	rddreg [dreg:$0x1];
	p0 =	sne.s32 s2, $0x0  }
0x44: {  	s3 =	rddreg [dreg:$0x2];
	[bflag:$0x3] =	sbarrier.arrive $0xFFFF;
	s2 =	simm.s32 @!p0 $0x1C01  }
0x45: {  	[timem:s3], [sflag:s2] =	dma.local @!p0 [hbm:s0], s1  }
0x46: {  	s0 =	simm.s32 @!p0 $0x1  }
0x47: {  	_ =	swait.ge @!p0 [sflag:s0], s1  }
0x48: {  	s1 =	ssub.s32 @!p0 $0x0, s1;
	[sflag:s0] =	ssyncset.done @!p0 $0x0  }
0x49: {  	[sflag:s0] =	ssyncadd.s32 @!p0 s1  }
0x4a: {  	[bflag:$0x3] =	sbarrier.arrive $0xFFFF  }
0x4b: {  	_ =	shalt  }

// kernel: sparse-core-data-format-call.cloned.1.call-start
scs
called_computation_lowered:
.L_overlay_start_0:
0x0: {  	s2 =	sld [smem:$0x3FD9]  }
0x1: {  	s3 =	sld [smem:$0x3FFE];
	_ =	sdelay $0x1  }
0x2: {  	s1 =	srdreg.scid  }
0x3: {  	s0 =	sand.u32 $0x1, s1  }
0x4: {  	s15 =	sshll.u32 s0, $0xA;
	s2 =	sadd.s32 s3, s2  }
0x5: {  	s2 =	sadd.s32 s2, s15  }
0x6: {  	[smem:$0x3FC6] =	sst s2  }
0x7: {  	_ = 	snop  }
0x8: {  	s2 =	sld [smem:$0x3FD0];
	_ =	sdelay $0x2  }
0x9: {  	s16 =	simm.s32 $0xB;
	s4 =	simm.s32 $0x10  }
0xa: {  	[smem:s4], [sflag:s16] =	dma.local [hbm:s2], $0x1  }
0xb: {  	_ =	swait.eq [sflag:s16], $0x1  }
0xc: {  	[sflag:s16] =	ssyncset.done $0x0  }
0xd: {  	[sflag:s16] =	ssyncadd.s32 $0xFFFFFFFF  }
0xe: {  	s17 =	sld [smem:$0x11];
	(tm) =	ssettm $0x1  }
0xf: {  	s18 =	sld [smem:$0x3FFB];
	_ =	sdelay $0x3  }
0x10: {  	_ =	strace s18  }
0x11: {  	s3 =	sld [smem:$0x3FFC];
	_ =	sdelay $0x3  }
0x12: {  	_ =	strace s3  }
0x13: {  	s3 =	sld [smem:$0x3FFD];
	_ =	sdelay $0x3  }
0x14: {  	_ =	strace s3  }
0x15: {  	_ =	strace $0x8FFFFFFF  }
0x16: {  	s19 =	sld [smem:$0x3FDB];
	_ =	sdelay $0x1  }
0x17: {  	s20 =	simm.s32 $_scs_section_size  }
0x18: {  	s5 =	simm.s32 $_size__tile_overlayer_lowered;
	s6 =	simm.s32 $_tile_overlayer_lowered  }
0x19: {  	s23 =	simm.s32 $0x1BFF;
	s22 =	sshll.u32 s6, $0x1;
	s3 =	sadd.s32 s20, s19  }
0x1a: {  	s7 =	simm.s32 $0x0;
	s21 =	sshll.u32 s5, $0x1;
	s5 =	sadd.s32 s22, s3  }
0x1b: {  	[timem:s7], [sflag:s23] =	dma.local [hbm:s5], s21  }
0x1c: {  	_ =	swait.ge [sflag:s23], s21  }
0x1d: {  	s4 =	ssub.s32 $0x0, s21;
	[sflag:s23] =	ssyncset.done $0x0  }
0x1e: {  	[sflag:s23] =	ssyncadd.s32 s4;
	_ =	sdelay $0x1  }
0x1f: {  	s24 =	simm.s32 $0x1B8B  }
0x20: {  	_ =	swait.ge [sflag:s24], $0x1  }
0x21: {  	[sflag:s24] =	ssyncset.done $0x0  }
0x22: {  	s26 =	simm.s32 $0x1B8E;
	s25 =	sld [smem:$0x3FFE];
	[sflag:s24] =	ssyncadd.s32 $0xFFFFFFFF  }
0x23: {  	s27 =	simm.s32 $execute0_lowered;
	[smem:$0x3FD2] =	sst s26  }
0x24: {  	s5 =	sshll.u32 s27, $0x1;
	_ =	strace $0x80000049;
	[dreg:$0x1] =	wrdreg $0xFFFFFFFF  }
0x25: {  	s28 =	simm.s32 $_size_execute0_lowered;
	s3 =	sadd.s32 s3, s5;
	[dreg:$0x0] =	wrdreg $0x0  }
0x26: {  	s5 =	sshll.u32 s28, $0x1;
	[dreg:$0x2] =	wrdreg s3  }
0x27: {  	[dreg:$0x3] =	wrdreg s5  }
0x28: {  	[dreg:$0x4] =	wrdreg $0xC0  }
0x29: {  	_ =	task [dreg:s7], $0x5FFFF  }
0x2a: {  	[dreg:$0x1] =	wrdreg $0xFFFFFFFF  }
0x2b: {  	[dreg:$0x0] =	wrdreg $0x60  }
0x2c: {  	[dreg:$0x2] =	wrdreg s25  }
0x2d: {  	[dreg:$0x3] =	wrdreg s17  }
0x2e: {  	[dreg:$0x4] =	wrdreg $0x9  }
0x2f: {  	_ =	task.clear_ibuf [dreg:s7], $0x5FFFF;
	_ =	strace $0x90000049  }
0x30: {  	s29 =	simm.s32 $0x9;
	_ =	strace $0x8000004B  }
0x31: {  	_ =	swait.ge [sflag:s29], $0x1  }
0x32: {  	[sflag:s29] =	ssyncadd.s32 $0xFFFFFFFF  }
0x33: {  	_ =	strace $0x9000004B  }
0x34: {  	_ =	sfence  }
0x35: {  	s30 =	sld [smem:$0x0];
	_ =	sdelay $0x2  }
0x36: {  	s31 =	sshll.u32 s1, $0xD;
	s1 =	sshrl.u32 s1, $0x2  }
0x37: {  	s3 =	sand.u32 $0x4000, s31;
	s1 =	sadd.s32 s1, s30  }
0x38: {  	s0 =	sor.u32 s3, s0;
	s1 =	sshll.u32 s1, $0x11  }
0x39: {  	s0 =	sor.u32 s1, s0  }
0x3a: {  	s0 =	sadd.s32 $0x8F2B, s0  }
0x3b: {  	[sflag:s0] =	ssyncadd.remote.s32 $0x1  }
0x3c: {  	_ =	sfence.sel $0xFFFF  }
0x3d: {  	[dreg:$0x0] =	wrdreg $0xFFFFFFFF;
	(pc) =	sbr.abs _section_cstart, $3  }
0x3e: {  	[dreg:$0x1] =	wrdreg $0xFFFFFFFF  }
0x3f: {  	_ =	task.clear_ibuf [dreg:s7], $0x2FFFF;
	_ =	strace $0x9FFFFFFF  }
0x40: {  	(tm) =	ssettm $0x7FFFFFFF  }
0x41: {  	_ =	shalt  }
tec
execute0_lowered:
.L_overlay_start_1:
0x0: {  	(tag) =	ssettag $0x1  }
0x1: {  	s0 =	srdreg.scid  }
0x2: {  	s1 =	sshll.u32 s0, $0x4  }
0x3: {  	s0 =	stileid.u32;
	s1 =	sand.u32 $0x10, s1  }
0x4: {  	s1 =	sor.u32 s0, s1  }
0x5: {  	s6 =	rddreg [dreg:$0x0];
	s4 =	simm.s32 $0x1;
	s2 =	sshll.u32 s1, $0x7  }
0x6: {  	s7 =	simm.s32 $0x2;
	s12 =	simm.s32 $0x0;
	s1 =	ssub.s32 $0x1000, s2  }
0x7: {  	s8 =	simm.s32 $0x8000;
	s13 =	simm.s32 $0x0;
	s3 =	sand.u32 $0xF80, s1  }
0x8: {  	s9 =	simm.s32 $0x0;
	s5 =	sshrl.u32 s1, $0xC;
	p0 =	sne.s32 s3, $0x0  }
.Ltmp0:
0x9: {  	s1 =	rddreg [dreg:$0x2];
	s4 =	simm.s32 @!p0 $0x0;
	(pc) =	sbr.rel .LBB1_1-.Ltmp0, $4  }
0xa: {  	s11 =	simm.s32 $0x0;
	s3 =	rddreg [dreg:$0x1];
	s5 =	sadd.s32 s4, s5  }
0xb: {  	_ =	strace $0x8000004A;
	s4 =	simm.s32 $0x1;
	s5 =	smul.u32 $0xC8, s5  }
0xc: {  	s6 =	sadd.s32 $0x191600, s6;
	s10 =	smov.u32 s2;
	[sflag:s4] =	ssyncpa.u1 $0x0  }
0xd: {  	p0 =	por $0x0, $0x0;
	[sflag:s7] =	ssyncpa.u1 $0x0;
	s7 =	sor.u32 $0x1, s5  }
.LBB1_4:
0xe: {  	s16 =	sshll.u32 s13, $0x3;
	s17 =	sand.u32 $0x78, s13  }
0xf: {  	s30 =	sand.u32 $0x1E00, s13;
	s12 =	sshll.u32 s12, $0xD;
	s16 =	sand.u32 $0xC00, s16  }
0x10: {  	s31 =	sand.u32 $0x7, s13;
	s16 =	sor.u32 s17, s16;
	s17 =	sadd.s32 s3, s30  }
0x11: {  	s13 =	sshll.u32 s31, $0x12;
	s16 =	sshrl.u32 s16, $0x3;
	s12 =	sadd.s32 s12, s17  }
0x12: {  	[tilespmem:s15+$0x0 ss:$0x81] =	vst.msk $0xffff, v1;
	s13 =	sor.u32 $0x400, s13;
	s12 =	sadd.s32 s16, s12  }
0x13: {  	[hbm4b:s12+s13] =	stream.strided.scatter [tilespmem:s14], [sflag:$0x2], $0x800, s8, s13, $0x20;
	[tilespmem:$0x2020] =	vst v63  }
.LBB1_5:
0x14: {  	s14 =	sadd.s32 $0x1, s9  }
0x15: {  	s12 =	sadd.s32 $0x1000, s10;
	s16 =	smov.u32 s10;
	p2 =	sgt.s32 s14, $0xC7  }
0x16: {  	s16 =	smov.u32 @p2 s12  }
0x17: {  	s14 =	simm.s32 @p2 $0x0;
	p2 =	sgt.s32 s16, $0xFFF  }
0x18: {  	s16 =	smov.u32 @p2 s2;
	p2 =	sne.s32 s11, s7  }
.Ltmp1:
0x19: {  	p1 =	slt.u32 s11, $0x2;
	(pc) =	sbr.rel @!p2 .LBB1_6-.Ltmp1, $4  }
0x1a: {  	s15 =	simm.s32 @!p1 $0x2  }
0x1b: {  	s13 =	smov.u32 s10;
	p0 =	por !p0, !p0;
	_ =	swait.ge @!p1 [sflag:s15], $0x800  }
0x1c: {  	s12 =	smov.u32 s9;
	[sflag:s15] =	ssyncset.done @!p1 $0x0;
	s9 =	smov.u32 s14  }
0x1d: {  	s11 =	sadd.s32 $0x1, s11;
	[sflag:s15] =	ssyncadd.s32 @!p1 $0xFFFFF800;
	s10 =	smov.u32 s16  }
.LBB1_1:
0x1e: {  	p1 =	sge.u32 s11, s5  }
0x1f: {  	s14 =	sand.u32 @!p1 $0x1FFFFFF, s9  }
0x20: {  	s15 =	smulhi.u32 @!p1 $0x147AE15, s14;
	_ =	sdelay $0x1  }
0x21: {  	s15 =	smul.u32 @!p1 $0xC8, s15  }
0x22: {  	s16 =	sxor.u32 @!p1 $0xFFFFFFFF, s11;
	s17 =	smul.u32 @!p1 $0xC80, s10  }
0x23: {  	s31 =	sadd.s32 $0xFFFFFFFF, s11;
	s16 =	sshll.u32 @!p1 s16, $0xB;
	s14 =	ssub.s32 @!p1 s14, s15  }
0x24: {  	s15 =	sand.u32 @!p1 $0x800, s16;
	s16 =	sadd.s32 @!p1 s6, s17;
	s14 =	sshll.u32 @!p1 s14, $0x4  }
0x25: {  	s17 =	simm.s32 @!p1 $0x6400;
	s14 =	sadd.s32 @!p1 s14, s16;
	s16 =	simm.s32 @!p1 $0x10  }
0x26: {  	[tilespmem:s15], [sflag:$0x1] =	stream.strided.gather @!p1 [hbm4b:s14+s16], $0x800, s17, s16, $0x38;
	[tilespmem:$0x2020] =	vst v63  }
0x27: {  	p1 =	sge.u32 s31, s5  }
.Ltmp2:
0x28: {  	_ = 	snop;
	(pc) =	sbr.rel @p1 .LBB1_5-.Ltmp2, $1  }
0x29: {  	_ =	sdelay $0x3  }
0x2a: {  	s14 =	simm.s32 $0x1  }
0x2b: {  	s14 =	simm.s32 @!p0 $0x0  }
0x2c: {  	s15 =	sshll.u32 s14, $0xB  }
0x2d: {  	v0 =	vmov s15;
	_ =	sdelay $0x1  }
0x2e: {  	_ =	swait.ge [sflag:s4], $0x800  }
0x2f: {  	s31 =	sand.u32 $0x1, s11;
	[sflag:s4] =	ssyncset.done $0x0  }
0x30: {  	s17 =	simm.s32 $0x0;
	s14 =	smul.u32 $0x2040, s14;
	[sflag:s4] =	ssyncadd.s32 $0xFFFFF800  }
0x31: {  	s15 =	smul.u32 $0x2040, s31;
	v1 =	vld.idx.msk [tilespmem:v0+s17+$0x0 ss:$0x1], $0xffff;
	_ =	sdelay $0x1  }
0x32: {  	s14 =	sshrl.u32 s14, $0x2;
	s16 =	sshrl.u32 s15, $0x2  }
0x33: {  	s15 =	sor.u32 $0x1000, s14;
	s14 =	sor.u32 $0x1000, s16;
	s16 =	simm.s32 $0x40  }
.LBB1_3:
0x34: {  	s17 =	sshra.s32 s16, $0x2;
	p1 =	sne.s32 s16, $0x1FC0;
	s16 =	sadd.s32 $0x40, s16  }
.Ltmp3:
0x35: {  	[tilespmem:s15+$0x0 ss:$0x81] =	vst.msk $0xffff, v1;
	v1 =	vld.idx.msk [tilespmem:v0+s17+$0x0 ss:$0x1], $0xffff;
	(pc) =	sbr.rel @p1 .LBB1_3-.Ltmp3, $2  }
0x36: {  	_ =	sdelay $0x2  }
0x37: {  	s15 =	sadd.s32 $0x1, s15  }
.Ltmp4:
0x38: {  	_ = 	snop;
	(pc) =	sbr.rel .LBB1_4-.Ltmp4, $1  }
0x39: {  	_ =	sdelay $0x3  }
.LBB1_6:
0x3a: {  	_ =	sfence.sel $0x180000  }
0x3b: {  	s2 =	simm.s32 $0x1;
	[bflag:$0x0] =	sbarrier.arrive $0xFFFF  }
0x3c: {  	s31 =	simm.s32 $0x2;
	[sflag:s2] =	ssyncpa.u1 $0x1  }
0x3d: {  	[sflag:s31] =	ssyncpa.u1 $0x1  }
0x3e: {  	p0 =	sne.s32 s0, $0x0;
	_ =	strace $0x9000004A  }
0x3f: {  	s0 =	sadd.s32 @!p0 $0x100000, s1;
	[bflag:$0x2] =	sbarrier.arrive $0xFFFF  }
0x40: {  	[sflag:s0] =	ssyncadd.tile.s32 @!p0 $0x1;
	_ =	shalt  }
.Lfunc_end1:
_tile_overlayer_lowered:
.L_overlay_start_2:
0x41: {  	(tag) =	ssettag $0x2  }
0x42: {  	s0 =	rddreg [dreg:$0x0];
	s2 =	stileid.u32  }
0x43: {  	s1 =	rddreg [dreg:$0x1];
	p0 =	sne.s32 s2, $0x0  }
0x44: {  	s3 =	rddreg [dreg:$0x2];
	[bflag:$0x3] =	sbarrier.arrive $0xFFFF;
	s2 =	simm.s32 @!p0 $0x1C01  }
0x45: {  	[timem:s3], [sflag:s2] =	dma.local @!p0 [hbm:s0], s1  }
0x46: {  	s0 =	simm.s32 @!p0 $0x1  }
0x47: {  	_ =	swait.ge @!p0 [sflag:s0], s1  }
0x48: {  	s1 =	ssub.s32 @!p0 $0x0, s1;
	[sflag:s0] =	ssyncset.done @!p0 $0x0  }
0x49: {  	[sflag:s0] =	ssyncadd.s32 @!p0 s1  }
0x4a: {  	[bflag:$0x3] =	sbarrier.arrive $0xFFFF  }
0x4b: {  	_ =	shalt  }

</sc_bundles>
